<compile_context>
chip_gen: v7x
topology: tpu7x:2x2x1
jax: 0.10.2.dev20260603
libtpu: 0.0.44.dev20260713+nightly
codegen_flags: <defaults>
</compile_context>

<pallas_src>
import functools

import jax
import jax.numpy as jnp
import numpy as np
from jax import lax
from jax.experimental import pallas as pl
from jax.experimental.pallas import tpu as pltpu
from jax.experimental.pallas import tpu_sc as plsc

B, N, K = 1, 100000, 16
IN_CH, OUT_CH = 16, 64
LAST_CH = IN_CH + 3
WN_OUT = 16
NK = N * K
TW = 32
CM = LAST_CH * WN_OUT

NW = 32
CH = 512
NCHUNK = NK // CH
CPW_LO = NCHUNK // NW
REM = NCHUNK - CPW_LO * NW
NB = 4
GMAX = (CPW_LO + 1 + NB - 1) // NB


@functools.cache
def _make_sc_gather():
    mesh = plsc.VectorSubcoreMesh(core_axis_name="c", subcore_axis_name="s")

    scratch = (
        [pltpu.VMEM((CH,), jnp.int32) for _ in range(NB)]
        + [pltpu.VMEM((CH, TW), jnp.float32) for _ in range(NB)]
        + [pltpu.SemaphoreType.DMA for _ in range(3 * NB)]
    )

    @functools.partial(
        pl.kernel,
        mesh=mesh,
        out_type=jax.ShapeDtypeStruct((NK, TW), jnp.float32),
        scratch_types=scratch,
        compiler_params=pltpu.CompilerParams(use_tc_tiling_on_sc=False),
    )
    def _sc_gather(idx_hbm, tbl_hbm, out_hbm, *scr):
        idx_v = scr[0:NB]
        bt = scr[NB:2 * NB]
        isem = scr[2 * NB:3 * NB]
        gsem = scr[3 * NB:4 * NB]
        wsem = scr[4 * NB:5 * NB]

        wid = lax.axis_index("s") * 2 + lax.axis_index("c")
        nch = CPW_LO + (wid < REM).astype(jnp.int32)

        def off(j):
            return wid * CH + j * (NW * CH)

        for b in range(NB):
            pltpu.async_copy(idx_hbm.at[pl.ds(off(b), CH)], idx_v[b], isem[b])

        def body(g, carry):
            for b in range(NB):
                j = g * NB + b

                @pl.when(j < nch)
                def _():
                    @pl.when(j >= NB)
                    def _():
                        pltpu.make_async_copy(
                            bt[b], out_hbm.at[pl.ds(off(j - NB), CH)],
                            wsem[b]).wait()

                    pltpu.make_async_copy(
                        idx_hbm.at[pl.ds(off(j), CH)], idx_v[b],
                        isem[b]).wait()
                    pltpu.async_copy(tbl_hbm.at[idx_v[b]], bt[b], gsem[b])

            for b in range(NB):
                j = g * NB + b

                @pl.when(j < nch)
                def _():
                    pltpu.make_async_copy(
                        tbl_hbm.at[idx_v[b]], bt[b], gsem[b]).wait()
                    pltpu.async_copy(
                        bt[b], out_hbm.at[pl.ds(off(j), CH)], wsem[b])

                    @pl.when(j + NB < nch)
                    def _():
                        pltpu.async_copy(
                            idx_hbm.at[pl.ds(off(j + NB), CH)], idx_v[b],
                            isem[b])

            return carry

        lax.fori_loop(0, GMAX, body, 0)

        for b in range(NB):
            pltpu.make_async_copy(
                bt[b], out_hbm.at[pl.ds(off(0), CH)], wsem[b]).wait()

    return _sc_gather


def _np_blockdiag(blk, n):
    return np.kron(np.eye(n, dtype=np.float32), blk).astype(np.float32)


def _build_static():
    e32 = np.zeros((TW, CM), np.float32)
    for u in range(LAST_CH):
        for m in range(WN_OUT):
            e32[u, u * WN_OUT + m] = 1.0
    eq4 = np.zeros((4, CM), np.float32)
    for d in range(3):
        for m in range(WN_OUT):
            eq4[d, (IN_CH + d) * WN_OUT + m] = 1.0
    t16 = np.zeros((WN_OUT, CM), np.float32)
    for m in range(WN_OUT):
        for c in range(LAST_CH):
            t16[m, c * WN_OUT + m] = 1.0
    s32 = np.zeros((TW, 4), np.float32)
    for i in range(4):
        s32[IN_CH + i, i] = 1.0
    return (
        jnp.asarray(_np_blockdiag(e32, 4)),
        jnp.asarray(_np_blockdiag(eq4, 4)),
        jnp.asarray(_np_blockdiag(t16, 4)),
        jnp.asarray(_np_blockdiag(s32, 4)),
    )


def _tc_body(g_ref, q_ref, wt1_ref, wq1_ref, wt2_ref, wt3_ref,
             et_ref, eq_ref, tt_ref, s_ref, wlt_ref,
             b1t_ref, b2t_ref, b3t_ref, blt_ref, of_ref, ow_ref):
    P4 = q_ref.shape[0]
    Rp = K * P4
    gp = g_ref[...]
    gp2 = gp.reshape(Rp, 128)
    q = jnp.dot(q_ref[...], s_ref[...],
                preferred_element_type=jnp.float32)

    t1 = jnp.dot(q, wq1_ref[...], preferred_element_type=jnp.float32)
    a1 = jnp.dot(gp2, wt1_ref[...], preferred_element_type=jnp.float32)
    h = jnp.maximum(a1.reshape(K, P4, 32) - t1[None] + b1t_ref[...], 0.0)
    h = h.reshape(Rp, 32)
    h = jnp.maximum(
        jnp.dot(h, wt2_ref[...], preferred_element_type=jnp.float32)
        + b2t_ref[...], 0.0)
    wp = jnp.maximum(
        jnp.dot(h, wt3_ref[...], preferred_element_type=jnp.float32)
        + b3t_ref[...], 0.0)
    wp3 = wp.reshape(K, P4, 64)

    lp = jnp.dot(gp2, s_ref[...], preferred_element_type=jnp.float32)
    ow_ref[...] = lp.reshape(K, P4, 16) - q[None]

    qe = jnp.dot(q, eq_ref[...], preferred_element_type=jnp.float32)
    acc = None
    gpb = gp.astype(jnp.bfloat16)
    wpb = wp3.astype(jnp.bfloat16)
    etb = et_ref[...].astype(jnp.bfloat16)
    ttb = tt_ref[...].astype(jnp.bfloat16)
    for kg in range(4):
        gg = gpb[4 * kg:4 * kg + 4].reshape(4 * P4, 128)
        wg = wpb[4 * kg:4 * kg + 4].reshape(4 * P4, 64)
        grep = jnp.dot(gg, etb,
                       preferred_element_type=jnp.float32).reshape(
                           4, P4, 4 * CM) - qe[None]
        wrep = jnp.dot(wg, ttb,
                       preferred_element_type=jnp.float32).reshape(
                           4, P4, 4 * CM)
        z = grep * wrep
        sg = (z[0] + z[1]) + (z[2] + z[3])
        acc = sg if acc is None else acc + sg

    of_ref[...] = jnp.maximum(
        jnp.dot(acc, wlt_ref[...], preferred_element_type=jnp.float32)
        + blt_ref[...], 0.0)


def kernel(dense_xyz, dense_feats, nei_inds, W1, b1, W2, b2, W3, b3, Wl, bl):
    tbl = jnp.concatenate(
        [dense_feats[0], dense_xyz[0],
         jnp.zeros((N, TW - IN_CH - 3), jnp.float32)], axis=1)
    idx = nei_inds[0].T.reshape(NK)
    g = _make_sc_gather()(idx, tbl)
    g4 = g.reshape(K, N // 4, 128)

    tbl4 = tbl.reshape(N // 4, 128)

    bd = jax.scipy.linalg.block_diag
    W1blk = jnp.concatenate(
        [jnp.zeros((IN_CH, 8), jnp.float32), W1,
         jnp.zeros((TW - IN_CH - 3, 8), jnp.float32)], axis=0)
    W1q = jnp.concatenate([W1, jnp.zeros((1, 8), jnp.float32)], axis=0)
    Wt1 = bd(W1blk, W1blk, W1blk, W1blk)
    Wq1 = bd(W1q, W1q, W1q, W1q)
    Wt2 = bd(W2, W2, W2, W2)
    Wt3 = bd(W3, W3, W3, W3)
    Wlt = bd(Wl, Wl, Wl, Wl)
    Et, Eq, Tt, S = _build_static()
    b1t = jnp.tile(b1, 4).reshape(1, 32)
    b2t = jnp.tile(b2, 4).reshape(1, 32)
    b3t = jnp.tile(b3, 4).reshape(1, 64)
    blt = jnp.tile(bl, 4).reshape(1, 256)

    P = 800
    P4 = P // 4
    grid = (N // P,)
    full = lambda i: (0, 0)
    of4, ow = pl.pallas_call(
        _tc_body,
        grid=grid,
        in_specs=[
            pl.BlockSpec((K, P4, 128), lambda i: (0, i, 0)),
            pl.BlockSpec((P4, 128), lambda i: (i, 0)),
            pl.BlockSpec((128, 32), full),
            pl.BlockSpec((16, 32), full),
            pl.BlockSpec((32, 32), full),
            pl.BlockSpec((32, 64), full),
            pl.BlockSpec((128, 4 * CM), full),
            pl.BlockSpec((16, 4 * CM), full),
            pl.BlockSpec((64, 4 * CM), full),
            pl.BlockSpec((128, 16), full),
            pl.BlockSpec((4 * CM, 256), full),
            pl.BlockSpec((1, 32), full),
            pl.BlockSpec((1, 32), full),
            pl.BlockSpec((1, 64), full),
            pl.BlockSpec((1, 256), full),
        ],
        out_specs=[
            pl.BlockSpec((P4, 256), lambda i: (i, 0)),
            pl.BlockSpec((K, P4, 16), lambda i: (0, i, 0)),
        ],
        out_shape=[
            jax.ShapeDtypeStruct((N // 4, 256), jnp.float32),
            jax.ShapeDtypeStruct((K, N // 4, 16), jnp.float32),
        ],
    )(g4, tbl4, Wt1, Wq1, Wt2, Wt3, Et, Eq, Tt, S, Wlt,
      b1t, b2t, b3t, blt)
    of = of4.reshape(B, N, OUT_CH)
    wni = ow.reshape(K, N, 4)[:, :, :3].transpose(1, 0, 2).reshape(B, N, K, 3)
    return (of, wni)

# --- scband reference (transcript-rebuilt; emitter-appended) ---
"""Pipeline reference for scband-point-conv-20255065768448 (READ-ONLY COPY).

The authoritative reference and input builder live on the scoring server;
editing this copy changes nothing except your own understanding.
"""

import jax, jax.numpy as jnp
import numpy as np

B, N, K = 1, 100000, 16
IN_CH, OUT_CH = 16, 64
HID = [8, 8]
WN_IN, WN_OUT = 3, 16
LAST_CH = IN_CH + 3  # USE_PE, no VI


def index_points(points, idx):
    # points: [B, N, C], idx: [B, M, K] -> [B, M, K, C]
    return jax.vmap(lambda p, i: p[i])(points, idx)


def setup_inputs(seed: int = 0) -> dict:
    key = jax.random.key(seed)
    ks = jax.random.split(key, 12)
    dense_xyz = jax.random.normal(ks[0], (B, N, 3), dtype=jnp.float32)
    dense_feats = jax.random.normal(ks[1], (B, N, IN_CH), dtype=jnp.float32)
    nei_inds = jax.random.randint(ks[2], (B, N, K), 0, N, dtype=jnp.int32)
    # WeightNet params (Linear_BN folded to affine linear, eval-mode equivalent)
    W1 = jax.random.normal(ks[3], (WN_IN, HID[0]), dtype=jnp.float32) * 0.1
    b1 = jnp.zeros((HID[0],), dtype=jnp.float32)
    W2 = jax.random.normal(ks[4], (HID[0], HID[1]), dtype=jnp.float32) * 0.1
    b2 = jnp.zeros((HID[1],), dtype=jnp.float32)
    W3 = jax.random.normal(ks[5], (HID[1], WN_OUT), dtype=jnp.float32) * 0.1
    b3 = jnp.zeros((WN_OUT,), dtype=jnp.float32)
    # final linear: in = last_ch * weightnet_out = 19*16 = 304
    Wl = jax.random.normal(ks[6], (LAST_CH * WN_OUT, OUT_CH), dtype=jnp.float32) * 0.05
    bl = jnp.zeros((OUT_CH,), dtype=jnp.float32)
    return {"dense_xyz": dense_xyz, "dense_feats": dense_feats, "nei_inds": nei_inds,
            "W1": W1, "b1": b1, "W2": W2, "b2": b2, "W3": W3, "b3": b3, "Wl": Wl, "bl": bl}


def reference(dense_xyz, dense_feats, nei_inds, W1, b1, W2, b2, W3, b3, Wl, bl):
    gathered_xyz = index_points(dense_xyz, nei_inds)              # [B,N,K,3]
    localized_xyz = gathered_xyz - dense_xyz[:, :, None, :]       # [B,N,K,3]
    weightNetInput = localized_xyz                                 # USE_VI=False
    gathered_feat = index_points(dense_feats, nei_inds)           # [B,N,K,IN_CH]
    gathered_feat = jnp.concatenate([gathered_feat, weightNetInput], axis=-1)  # USE_PE -> [B,N,K,19]
    # WeightNet: 3 Linear(+BN folded) + ReLU layers
    w = jax.nn.relu(weightNetInput @ W1 + b1)
    w = jax.nn.relu(w @ W2 + b2)
    weights = jax.nn.relu(w @ W3 + b3)                            # [B,N,K,16]
    # matmul(gathered_feat.permute(0,1,3,2), weights) -> [B,N,19,16]
    new_feat = jnp.einsum('bnkc,bnkm->bncm', gathered_feat, weights).reshape(B, N, -1)
    new_feat = jax.nn.relu(new_feat @ Wl + bl)                    # [B,N,OUT_CH]
    # dropout_rate=0 -> identity
    return (new_feat, weightNetInput)

if __name__ == "__main__":
    import jax
    _d = setup_inputs()
    print(jax.jit(kernel)(*tuple(_d.values())))

</pallas_src>

<mosaic_0001>
#map = affine_map<(d0, d1) -> (0)>
#map1 = affine_map<(d0, d1) -> (0, 0)>
module attributes {stable_mosaic.version = 14 : i64} {
  func.func @_sc_gather(%arg0: i32, %arg1: i32, %arg2: memref<1600000xi32, #tpu.memory_space<hbm>>, %arg3: memref<100000x32xf32, #tpu.memory_space<hbm>>, %arg4: memref<1600000x32xf32, #tpu.memory_space<hbm>>, %arg5: memref<512xi32, #tpu.memory_space<vmem>>, %arg6: memref<512xi32, #tpu.memory_space<vmem>>, %arg7: memref<512xi32, #tpu.memory_space<vmem>>, %arg8: memref<512xi32, #tpu.memory_space<vmem>>, %arg9: memref<512x32xf32, #tpu.memory_space<vmem>>, %arg10: memref<512x32xf32, #tpu.memory_space<vmem>>, %arg11: memref<512x32xf32, #tpu.memory_space<vmem>>, %arg12: memref<512x32xf32, #tpu.memory_space<vmem>>, %arg13: memref<!tpu.dma_semaphore, #tpu.memory_space<semaphore_mem>>, %arg14: memref<!tpu.dma_semaphore, #tpu.memory_space<semaphore_mem>>, %arg15: memref<!tpu.dma_semaphore, #tpu.memory_space<semaphore_mem>>, %arg16: memref<!tpu.dma_semaphore, #tpu.memory_space<semaphore_mem>>, %arg17: memref<!tpu.dma_semaphore, #tpu.memory_space<semaphore_mem>>, %arg18: memref<!tpu.dma_semaphore, #tpu.memory_space<semaphore_mem>>, %arg19: memref<!tpu.dma_semaphore, #tpu.memory_space<semaphore_mem>>, %arg20: memref<!tpu.dma_semaphore, #tpu.memory_space<semaphore_mem>>, %arg21: memref<!tpu.dma_semaphore, #tpu.memory_space<semaphore_mem>>, %arg22: memref<!tpu.dma_semaphore, #tpu.memory_space<semaphore_mem>>, %arg23: memref<!tpu.dma_semaphore, #tpu.memory_space<semaphore_mem>>, %arg24: memref<!tpu.dma_semaphore, #tpu.memory_space<semaphore_mem>>) attributes {dimension_semantics = [#tpu.dimension_semantics<core_parallel>, #tpu.dimension_semantics<subcore_parallel>], iteration_bounds = array<i64: 2, 16>, scalar_prefetch = 0 : i64, scratch_operands = 20 : i64, tpu.core_type = #tpu.core_type<sc_vector_subcore>, window_params = [{transform_indices = #map}, {transform_indices = #map1}, {transform_indices = #map1}]} {
    %mul3A = arith.constant 2 : i32
    %mul3A_0 = arith.muli %arg1, %mul3A : i32
    %add3A = arith.addi %mul3A_0, %arg0 : i32
    %lt3A = arith.constant 21 : i32
    %lt3A_1 = arith.cmpi slt, %add3A, %lt3A : i32
    %convert_element_type3A = arith.extui %lt3A_1 : i1 to i32
    %add3A_2 = arith.constant 97 : i32
    %add3A_3 = arith.addi %add3A_2, %convert_element_type3A : i32
    %mul3A_4 = arith.constant 512 : i32
    %mul3A_5 = arith.muli %add3A, %mul3A_4 : i32
    %add3A_6 = arith.constant 0 : i32
    %add3A_7 = arith.addi %mul3A_5, %add3A_6 : i32
    %dma_start3A = tpu.memref_slice %arg2[%add3A_7] : memref<1600000xi32, #tpu.memory_space<hbm>> -> memref<512xi32, #tpu.memory_space<hbm>>
    %dma_start3A_8 = tpu.memref_slice %arg2[%add3A_7] : memref<1600000xi32, #tpu.memory_space<hbm>> -> memref<512xi32, #tpu.memory_space<hbm>>
    tpu.enqueue_dma source(%dma_start3A_8 : memref<512xi32, #tpu.memory_space<hbm>>) target(%arg5 : memref<512xi32, #tpu.memory_space<vmem>>) target_semaphore(%arg13 : memref<!tpu.dma_semaphore, #tpu.memory_space<semaphore_mem>>)
    %mul3A_9 = arith.constant 512 : i32
    %mul3A_10 = arith.muli %add3A, %mul3A_9 : i32
    %add3A_11 = arith.constant 16384 : i32
    %add3A_12 = arith.addi %mul3A_10, %add3A_11 : i32
    %dma_start3A_13 = tpu.memref_slice %arg2[%add3A_12] : memref<1600000xi32, #tpu.memory_space<hbm>> -> memref<512xi32, #tpu.memory_space<hbm>>
    %dma_start3A_14 = tpu.memref_slice %arg2[%add3A_12] : memref<1600000xi32, #tpu.memory_space<hbm>> -> memref<512xi32, #tpu.memory_space<hbm>>
    tpu.enqueue_dma source(%dma_start3A_14 : memref<512xi32, #tpu.memory_space<hbm>>) target(%arg6 : memref<512xi32, #tpu.memory_space<vmem>>) target_semaphore(%arg14 : memref<!tpu.dma_semaphore, #tpu.memory_space<semaphore_mem>>)
    %mul3A_15 = arith.constant 512 : i32
    %mul3A_16 = arith.muli %add3A, %mul3A_15 : i32
    %add3A_17 = arith.constant 32768 : i32
    %add3A_18 = arith.addi %mul3A_16, %add3A_17 : i32
    %dma_start3A_19 = tpu.memref_slice %arg2[%add3A_18] : memref<1600000xi32, #tpu.memory_space<hbm>> -> memref<512xi32, #tpu.memory_space<hbm>>
    %dma_start3A_20 = tpu.memref_slice %arg2[%add3A_18] : memref<1600000xi32, #tpu.memory_space<hbm>> -> memref<512xi32, #tpu.memory_space<hbm>>
    tpu.enqueue_dma source(%dma_start3A_20 : memref<512xi32, #tpu.memory_space<hbm>>) target(%arg7 : memref<512xi32, #tpu.memory_space<vmem>>) target_semaphore(%arg15 : memref<!tpu.dma_semaphore, #tpu.memory_space<semaphore_mem>>)
    %mul3A_21 = arith.constant 512 : i32
    %mul3A_22 = arith.muli %add3A, %mul3A_21 : i32
    %add3A_23 = arith.constant 49152 : i32
    %add3A_24 = arith.addi %mul3A_22, %add3A_23 : i32
    %dma_start3A_25 = tpu.memref_slice %arg2[%add3A_24] : memref<1600000xi32, #tpu.memory_space<hbm>> -> memref<512xi32, #tpu.memory_space<hbm>>
    %dma_start3A_26 = tpu.memref_slice %arg2[%add3A_24] : memref<1600000xi32, #tpu.memory_space<hbm>> -> memref<512xi32, #tpu.memory_space<hbm>>
    tpu.enqueue_dma source(%dma_start3A_26 : memref<512xi32, #tpu.memory_space<hbm>>) target(%arg8 : memref<512xi32, #tpu.memory_space<vmem>>) target_semaphore(%arg16 : memref<!tpu.dma_semaphore, #tpu.memory_space<semaphore_mem>>)
    %scan3A = arith.constant 0 : i32
    %scan3A_27 = arith.constant 0 : i32
    %scan3A_28 = arith.constant 25 : i32
    %scan3A_29 = arith.addi %scan3A_27, %scan3A_28 : i32
    %scan3A_30 = arith.constant 1 : i32
    scf.for %scan3A_63 = %scan3A_27 to %scan3A_29 step %scan3A_30  : i32 {
      %mul3A_64 = arith.constant 4 : i32
      %mul3A_65 = arith.muli %scan3A_63, %mul3A_64 : i32
      %add3A_66 = arith.constant 0 : i32
      %add3A_67 = arith.addi %mul3A_65, %add3A_66 : i32
      %lt3A_68 = arith.cmpi slt, %add3A_67, %add3A_3 : i32
      %convert_element_type3A_69 = arith.extui %lt3A_68 : i1 to i32
      %cond3A = arith.constant 0 : i32
      %cond3A_70 = arith.cmpi ne, %convert_element_type3A_69, %cond3A : i32
      scf.if %cond3A_70 {
        %ge3A = arith.constant 4 : i32
        %ge3A_127 = arith.cmpi sge, %add3A_67, %ge3A : i32
        %convert_element_type3A_128 = arith.extui %ge3A_127 : i1 to i32
        %cond3A_129 = arith.constant 0 : i32
        %cond3A_130 = arith.cmpi ne, %convert_element_type3A_128, %cond3A_129 : i32
        scf.if %cond3A_130 {
          %sub3A = arith.constant 4 : i32
          %sub3A_141 = arith.subi %add3A_67, %sub3A : i32
          %mul3A_142 = arith.constant 512 : i32
          %mul3A_143 = arith.muli %add3A, %mul3A_142 : i32
          %mul3A_144 = arith.constant 16384 : i32
          %mul3A_145 = arith.muli %sub3A_141, %mul3A_144 : i32
          %add3A_146 = arith.addi %mul3A_143, %mul3A_145 : i32
          %dma_wait3A_147 = arith.constant 0 : i32
          %dma_wait3A_148 = tpu.memref_slice %arg4[%add3A_146, %dma_wait3A_147] : memref<1600000x32xf32, #tpu.memory_space<hbm>> -> memref<512x32xf32, #tpu.memory_space<hbm>>
          %dma_wait3A_149 = arith.constant 0 : i32
          %dma_wait3A_150 = tpu.memref_slice %arg4[%add3A_146, %dma_wait3A_149] : memref<1600000x32xf32, #tpu.memory_space<hbm>> -> memref<512x32xf32, #tpu.memory_space<hbm>>
          tpu.wait_dma2 semaphore(%arg21 : memref<!tpu.dma_semaphore, #tpu.memory_space<semaphore_mem>>) src(%arg9 : memref<512x32xf32, #tpu.memory_space<vmem>>) dst(%dma_wait3A_150 : memref<512x32xf32, #tpu.memory_space<hbm>>)
        } else {
        }
        %mul3A_131 = arith.constant 512 : i32
        %mul3A_132 = arith.muli %add3A, %mul3A_131 : i32
        %mul3A_133 = arith.constant 16384 : i32
        %mul3A_134 = arith.muli %add3A_67, %mul3A_133 : i32
        %add3A_135 = arith.addi %mul3A_132, %mul3A_134 : i32
        %dma_wait3A_136 = tpu.memref_slice %arg2[%add3A_135] : memref<1600000xi32, #tpu.memory_space<hbm>> -> memref<512xi32, #tpu.memory_space<hbm>>
        %dma_wait3A_137 = tpu.memref_slice %arg2[%add3A_135] : memref<1600000xi32, #tpu.memory_space<hbm>> -> memref<512xi32, #tpu.memory_space<hbm>>
        tpu.wait_dma2 semaphore(%arg13 : memref<!tpu.dma_semaphore, #tpu.memory_space<semaphore_mem>>) src(%dma_wait3A_137 : memref<512xi32, #tpu.memory_space<hbm>>) dst(%arg5 : memref<512xi32, #tpu.memory_space<vmem>>)
        %dma_start3A_138 = arith.constant 0 : i32
        %dma_start3A_139 = arith.constant 0 : i32
        %dma_start3A_140 = tpu.memref_slice %arg3[%dma_start3A_138, %dma_start3A_139] : memref<100000x32xf32, #tpu.memory_space<hbm>> -> memref<100000x32xf32, #tpu.memory_space<hbm>>
        tpu.enqueue_indirect_dma source(%dma_start3A_140 : memref<100000x32xf32, #tpu.memory_space<hbm>>) target(%arg9 : memref<512x32xf32, #tpu.memory_space<vmem>>) offsets(%arg5 : memref<512xi32, #tpu.memory_space<vmem>>) semaphore(%arg17 : memref<!tpu.dma_semaphore, #tpu.memory_space<semaphore_mem>>)
      } else {
      }
      %mul3A_71 = arith.constant 4 : i32
      %mul3A_72 = arith.muli %scan3A_63, %mul3A_71 : i32
      %add3A_73 = arith.constant 1 : i32
      %add3A_74 = arith.addi %mul3A_72, %add3A_73 : i32
      %lt3A_75 = arith.cmpi slt, %add3A_74, %add3A_3 : i32
      %convert_element_type3A_76 = arith.extui %lt3A_75 : i1 to i32
      %cond3A_77 = arith.constant 0 : i32
      %cond3A_78 = arith.cmpi ne, %convert_element_type3A_76, %cond3A_77 : i32
      scf.if %cond3A_78 {
        %ge3A = arith.constant 4 : i32
        %ge3A_127 = arith.cmpi sge, %add3A_74, %ge3A : i32
        %convert_element_type3A_128 = arith.extui %ge3A_127 : i1 to i32
        %cond3A_129 = arith.constant 0 : i32
        %cond3A_130 = arith.cmpi ne, %convert_element_type3A_128, %cond3A_129 : i32
        scf.if %cond3A_130 {
          %sub3A = arith.constant 4 : i32
          %sub3A_141 = arith.subi %add3A_74, %sub3A : i32
          %mul3A_142 = arith.constant 512 : i32
          %mul3A_143 = arith.muli %add3A, %mul3A_142 : i32
          %mul3A_144 = arith.constant 16384 : i32
          %mul3A_145 = arith.muli %sub3A_141, %mul3A_144 : i32
          %add3A_146 = arith.addi %mul3A_143, %mul3A_145 : i32
          %dma_wait3A_147 = arith.constant 0 : i32
          %dma_wait3A_148 = tpu.memref_slice %arg4[%add3A_146, %dma_wait3A_147] : memref<1600000x32xf32, #tpu.memory_space<hbm>> -> memref<512x32xf32, #tpu.memory_space<hbm>>
          %dma_wait3A_149 = arith.constant 0 : i32
          %dma_wait3A_150 = tpu.memref_slice %arg4[%add3A_146, %dma_wait3A_149] : memref<1600000x32xf32, #tpu.memory_space<hbm>> -> memref<512x32xf32, #tpu.memory_space<hbm>>
          tpu.wait_dma2 semaphore(%arg22 : memref<!tpu.dma_semaphore, #tpu.memory_space<semaphore_mem>>) src(%arg10 : memref<512x32xf32, #tpu.memory_space<vmem>>) dst(%dma_wait3A_150 : memref<512x32xf32, #tpu.memory_space<hbm>>)
        } else {
        }
        %mul3A_131 = arith.constant 512 : i32
        %mul3A_132 = arith.muli %add3A, %mul3A_131 : i32
        %mul3A_133 = arith.constant 16384 : i32
        %mul3A_134 = arith.muli %add3A_74, %mul3A_133 : i32
        %add3A_135 = arith.addi %mul3A_132, %mul3A_134 : i32
        %dma_wait3A_136 = tpu.memref_slice %arg2[%add3A_135] : memref<1600000xi32, #tpu.memory_space<hbm>> -> memref<512xi32, #tpu.memory_space<hbm>>
        %dma_wait3A_137 = tpu.memref_slice %arg2[%add3A_135] : memref<1600000xi32, #tpu.memory_space<hbm>> -> memref<512xi32, #tpu.memory_space<hbm>>
        tpu.wait_dma2 semaphore(%arg14 : memref<!tpu.dma_semaphore, #tpu.memory_space<semaphore_mem>>) src(%dma_wait3A_137 : memref<512xi32, #tpu.memory_space<hbm>>) dst(%arg6 : memref<512xi32, #tpu.memory_space<vmem>>)
        %dma_start3A_138 = arith.constant 0 : i32
        %dma_start3A_139 = arith.constant 0 : i32
        %dma_start3A_140 = tpu.memref_slice %arg3[%dma_start3A_138, %dma_start3A_139] : memref<100000x32xf32, #tpu.memory_space<hbm>> -> memref<100000x32xf32, #tpu.memory_space<hbm>>
        tpu.enqueue_indirect_dma source(%dma_start3A_140 : memref<100000x32xf32, #tpu.memory_space<hbm>>) target(%arg10 : memref<512x32xf32, #tpu.memory_space<vmem>>) offsets(%arg6 : memref<512xi32, #tpu.memory_space<vmem>>) semaphore(%arg18 : memref<!tpu.dma_semaphore, #tpu.memory_space<semaphore_mem>>)
      } else {
      }
      %mul3A_79 = arith.constant 4 : i32
      %mul3A_80 = arith.muli %scan3A_63, %mul3A_79 : i32
      %add3A_81 = arith.constant 2 : i32
      %add3A_82 = arith.addi %mul3A_80, %add3A_81 : i32
      %lt3A_83 = arith.cmpi slt, %add3A_82, %add3A_3 : i32
      %convert_element_type3A_84 = arith.extui %lt3A_83 : i1 to i32
      %cond3A_85 = arith.constant 0 : i32
      %cond3A_86 = arith.cmpi ne, %convert_element_type3A_84, %cond3A_85 : i32
      scf.if %cond3A_86 {
        %ge3A = arith.constant 4 : i32
        %ge3A_127 = arith.cmpi sge, %add3A_82, %ge3A : i32
        %convert_element_type3A_128 = arith.extui %ge3A_127 : i1 to i32
        %cond3A_129 = arith.constant 0 : i32
        %cond3A_130 = arith.cmpi ne, %convert_element_type3A_128, %cond3A_129 : i32
        scf.if %cond3A_130 {
          %sub3A = arith.constant 4 : i32
          %sub3A_141 = arith.subi %add3A_82, %sub3A : i32
          %mul3A_142 = arith.constant 512 : i32
          %mul3A_143 = arith.muli %add3A, %mul3A_142 : i32
          %mul3A_144 = arith.constant 16384 : i32
          %mul3A_145 = arith.muli %sub3A_141, %mul3A_144 : i32
          %add3A_146 = arith.addi %mul3A_143, %mul3A_145 : i32
          %dma_wait3A_147 = arith.constant 0 : i32
          %dma_wait3A_148 = tpu.memref_slice %arg4[%add3A_146, %dma_wait3A_147] : memref<1600000x32xf32, #tpu.memory_space<hbm>> -> memref<512x32xf32, #tpu.memory_space<hbm>>
          %dma_wait3A_149 = arith.constant 0 : i32
          %dma_wait3A_150 = tpu.memref_slice %arg4[%add3A_146, %dma_wait3A_149] : memref<1600000x32xf32, #tpu.memory_space<hbm>> -> memref<512x32xf32, #tpu.memory_space<hbm>>
          tpu.wait_dma2 semaphore(%arg23 : memref<!tpu.dma_semaphore, #tpu.memory_space<semaphore_mem>>) src(%arg11 : memref<512x32xf32, #tpu.memory_space<vmem>>) dst(%dma_wait3A_150 : memref<512x32xf32, #tpu.memory_space<hbm>>)
        } else {
        }
        %mul3A_131 = arith.constant 512 : i32
        %mul3A_132 = arith.muli %add3A, %mul3A_131 : i32
        %mul3A_133 = arith.constant 16384 : i32
        %mul3A_134 = arith.muli %add3A_82, %mul3A_133 : i32
        %add3A_135 = arith.addi %mul3A_132, %mul3A_134 : i32
        %dma_wait3A_136 = tpu.memref_slice %arg2[%add3A_135] : memref<1600000xi32, #tpu.memory_space<hbm>> -> memref<512xi32, #tpu.memory_space<hbm>>
        %dma_wait3A_137 = tpu.memref_slice %arg2[%add3A_135] : memref<1600000xi32, #tpu.memory_space<hbm>> -> memref<512xi32, #tpu.memory_space<hbm>>
        tpu.wait_dma2 semaphore(%arg15 : memref<!tpu.dma_semaphore, #tpu.memory_space<semaphore_mem>>) src(%dma_wait3A_137 : memref<512xi32, #tpu.memory_space<hbm>>) dst(%arg7 : memref<512xi32, #tpu.memory_space<vmem>>)
        %dma_start3A_138 = arith.constant 0 : i32
        %dma_start3A_139 = arith.constant 0 : i32
        %dma_start3A_140 = tpu.memref_slice %arg3[%dma_start3A_138, %dma_start3A_139] : memref<100000x32xf32, #tpu.memory_space<hbm>> -> memref<100000x32xf32, #tpu.memory_space<hbm>>
        tpu.enqueue_indirect_dma source(%dma_start3A_140 : memref<100000x32xf32, #tpu.memory_space<hbm>>) target(%arg11 : memref<512x32xf32, #tpu.memory_space<vmem>>) offsets(%arg7 : memref<512xi32, #tpu.memory_space<vmem>>) semaphore(%arg19 : memref<!tpu.dma_semaphore, #tpu.memory_space<semaphore_mem>>)
      } else {
      }
      %mul3A_87 = arith.constant 4 : i32
      %mul3A_88 = arith.muli %scan3A_63, %mul3A_87 : i32
      %add3A_89 = arith.constant 3 : i32
      %add3A_90 = arith.addi %mul3A_88, %add3A_89 : i32
      %lt3A_91 = arith.cmpi slt, %add3A_90, %add3A_3 : i32
      %convert_element_type3A_92 = arith.extui %lt3A_91 : i1 to i32
      %cond3A_93 = arith.constant 0 : i32
      %cond3A_94 = arith.cmpi ne, %convert_element_type3A_92, %cond3A_93 : i32
      scf.if %cond3A_94 {
        %ge3A = arith.constant 4 : i32
        %ge3A_127 = arith.cmpi sge, %add3A_90, %ge3A : i32
        %convert_element_type3A_128 = arith.extui %ge3A_127 : i1 to i32
        %cond3A_129 = arith.constant 0 : i32
        %cond3A_130 = arith.cmpi ne, %convert_element_type3A_128, %cond3A_129 : i32
        scf.if %cond3A_130 {
          %sub3A = arith.constant 4 : i32
          %sub3A_141 = arith.subi %add3A_90, %sub3A : i32
          %mul3A_142 = arith.constant 512 : i32
          %mul3A_143 = arith.muli %add3A, %mul3A_142 : i32
          %mul3A_144 = arith.constant 16384 : i32
          %mul3A_145 = arith.muli %sub3A_141, %mul3A_144 : i32
          %add3A_146 = arith.addi %mul3A_143, %mul3A_145 : i32
          %dma_wait3A_147 = arith.constant 0 : i32
          %dma_wait3A_148 = tpu.memref_slice %arg4[%add3A_146, %dma_wait3A_147] : memref<1600000x32xf32, #tpu.memory_space<hbm>> -> memref<512x32xf32, #tpu.memory_space<hbm>>
          %dma_wait3A_149 = arith.constant 0 : i32
          %dma_wait3A_150 = tpu.memref_slice %arg4[%add3A_146, %dma_wait3A_149] : memref<1600000x32xf32, #tpu.memory_space<hbm>> -> memref<512x32xf32, #tpu.memory_space<hbm>>
          tpu.wait_dma2 semaphore(%arg24 : memref<!tpu.dma_semaphore, #tpu.memory_space<semaphore_mem>>) src(%arg12 : memref<512x32xf32, #tpu.memory_space<vmem>>) dst(%dma_wait3A_150 : memref<512x32xf32, #tpu.memory_space<hbm>>)
        } else {
        }
        %mul3A_131 = arith.constant 512 : i32
        %mul3A_132 = arith.muli %add3A, %mul3A_131 : i32
        %mul3A_133 = arith.constant 16384 : i32
        %mul3A_134 = arith.muli %add3A_90, %mul3A_133 : i32
        %add3A_135 = arith.addi %mul3A_132, %mul3A_134 : i32
        %dma_wait3A_136 = tpu.memref_slice %arg2[%add3A_135] : memref<1600000xi32, #tpu.memory_space<hbm>> -> memref<512xi32, #tpu.memory_space<hbm>>
        %dma_wait3A_137 = tpu.memref_slice %arg2[%add3A_135] : memref<1600000xi32, #tpu.memory_space<hbm>> -> memref<512xi32, #tpu.memory_space<hbm>>
        tpu.wait_dma2 semaphore(%arg16 : memref<!tpu.dma_semaphore, #tpu.memory_space<semaphore_mem>>) src(%dma_wait3A_137 : memref<512xi32, #tpu.memory_space<hbm>>) dst(%arg8 : memref<512xi32, #tpu.memory_space<vmem>>)
        %dma_start3A_138 = arith.constant 0 : i32
        %dma_start3A_139 = arith.constant 0 : i32
        %dma_start3A_140 = tpu.memref_slice %arg3[%dma_start3A_138, %dma_start3A_139] : memref<100000x32xf32, #tpu.memory_space<hbm>> -> memref<100000x32xf32, #tpu.memory_space<hbm>>
        tpu.enqueue_indirect_dma source(%dma_start3A_140 : memref<100000x32xf32, #tpu.memory_space<hbm>>) target(%arg12 : memref<512x32xf32, #tpu.memory_space<vmem>>) offsets(%arg8 : memref<512xi32, #tpu.memory_space<vmem>>) semaphore(%arg20 : memref<!tpu.dma_semaphore, #tpu.memory_space<semaphore_mem>>)
      } else {
      }
      %mul3A_95 = arith.constant 4 : i32
      %mul3A_96 = arith.muli %scan3A_63, %mul3A_95 : i32
      %add3A_97 = arith.constant 0 : i32
      %add3A_98 = arith.addi %mul3A_96, %add3A_97 : i32
      %lt3A_99 = arith.cmpi slt, %add3A_98, %add3A_3 : i32
      %convert_element_type3A_100 = arith.extui %lt3A_99 : i1 to i32
      %cond3A_101 = arith.constant 0 : i32
      %cond3A_102 = arith.cmpi ne, %convert_element_type3A_100, %cond3A_101 : i32
      scf.if %cond3A_102 {
        %dma_wait3A_127 = arith.constant 0 : i32
        %dma_wait3A_128 = arith.constant 0 : i32
        %dma_wait3A_129 = tpu.memref_slice %arg3[%dma_wait3A_127, %dma_wait3A_128] : memref<100000x32xf32, #tpu.memory_space<hbm>> -> memref<100000x32xf32, #tpu.memory_space<hbm>>
        tpu.wait_indirect_dma semaphore(%arg17 : memref<!tpu.dma_semaphore, #tpu.memory_space<semaphore_mem>>) src(%dma_wait3A_129 : memref<100000x32xf32, #tpu.memory_space<hbm>>) dst(%arg9 : memref<512x32xf32, #tpu.memory_space<vmem>>)
        %mul3A_130 = arith.constant 512 : i32
        %mul3A_131 = arith.muli %add3A, %mul3A_130 : i32
        %mul3A_132 = arith.constant 16384 : i32
        %mul3A_133 = arith.muli %add3A_98, %mul3A_132 : i32
        %add3A_134 = arith.addi %mul3A_131, %mul3A_133 : i32
        %dma_start3A_135 = arith.constant 0 : i32
        %dma_start3A_136 = tpu.memref_slice %arg4[%add3A_134, %dma_start3A_135] : memref<1600000x32xf32, #tpu.memory_space<hbm>> -> memref<512x32xf32, #tpu.memory_space<hbm>>
        %dma_start3A_137 = arith.constant 0 : i32
        %dma_start3A_138 = tpu.memref_slice %arg4[%add3A_134, %dma_start3A_137] : memref<1600000x32xf32, #tpu.memory_space<hbm>> -> memref<512x32xf32, #tpu.memory_space<hbm>>
        tpu.enqueue_dma source(%arg9 : memref<512x32xf32, #tpu.memory_space<vmem>>) target(%dma_start3A_138 : memref<512x32xf32, #tpu.memory_space<hbm>>) target_semaphore(%arg21 : memref<!tpu.dma_semaphore, #tpu.memory_space<semaphore_mem>>)
        %add3A_139 = arith.constant 4 : i32
        %add3A_140 = arith.addi %add3A_98, %add3A_139 : i32
        %lt3A_141 = arith.cmpi slt, %add3A_140, %add3A_3 : i32
        %convert_element_type3A_142 = arith.extui %lt3A_141 : i1 to i32
        %cond3A_143 = arith.constant 0 : i32
        %cond3A_144 = arith.cmpi ne, %convert_element_type3A_142, %cond3A_143 : i32
        scf.if %cond3A_144 {
          %add3A_145 = arith.constant 4 : i32
          %add3A_146 = arith.addi %add3A_98, %add3A_145 : i32
          %mul3A_147 = arith.constant 512 : i32
          %mul3A_148 = arith.muli %add3A, %mul3A_147 : i32
          %mul3A_149 = arith.constant 16384 : i32
          %mul3A_150 = arith.muli %add3A_146, %mul3A_149 : i32
          %add3A_151 = arith.addi %mul3A_148, %mul3A_150 : i32
          %dma_start3A_152 = tpu.memref_slice %arg2[%add3A_151] : memref<1600000xi32, #tpu.memory_space<hbm>> -> memref<512xi32, #tpu.memory_space<hbm>>
          %dma_start3A_153 = tpu.memref_slice %arg2[%add3A_151] : memref<1600000xi32, #tpu.memory_space<hbm>> -> memref<512xi32, #tpu.memory_space<hbm>>
          tpu.enqueue_dma source(%dma_start3A_153 : memref<512xi32, #tpu.memory_space<hbm>>) target(%arg5 : memref<512xi32, #tpu.memory_space<vmem>>) target_semaphore(%arg13 : memref<!tpu.dma_semaphore, #tpu.memory_space<semaphore_mem>>)
        } else {
        }
      } else {
      }
      %mul3A_103 = arith.constant 4 : i32
      %mul3A_104 = arith.muli %scan3A_63, %mul3A_103 : i32
      %add3A_105 = arith.constant 1 : i32
      %add3A_106 = arith.addi %mul3A_104, %add3A_105 : i32
      %lt3A_107 = arith.cmpi slt, %add3A_106, %add3A_3 : i32
      %convert_element_type3A_108 = arith.extui %lt3A_107 : i1 to i32
      %cond3A_109 = arith.constant 0 : i32
      %cond3A_110 = arith.cmpi ne, %convert_element_type3A_108, %cond3A_109 : i32
      scf.if %cond3A_110 {
        %dma_wait3A_127 = arith.constant 0 : i32
        %dma_wait3A_128 = arith.constant 0 : i32
        %dma_wait3A_129 = tpu.memref_slice %arg3[%dma_wait3A_127, %dma_wait3A_128] : memref<100000x32xf32, #tpu.memory_space<hbm>> -> memref<100000x32xf32, #tpu.memory_space<hbm>>
        tpu.wait_indirect_dma semaphore(%arg18 : memref<!tpu.dma_semaphore, #tpu.memory_space<semaphore_mem>>) src(%dma_wait3A_129 : memref<100000x32xf32, #tpu.memory_space<hbm>>) dst(%arg10 : memref<512x32xf32, #tpu.memory_space<vmem>>)
        %mul3A_130 = arith.constant 512 : i32
        %mul3A_131 = arith.muli %add3A, %mul3A_130 : i32
        %mul3A_132 = arith.constant 16384 : i32
        %mul3A_133 = arith.muli %add3A_106, %mul3A_132 : i32
        %add3A_134 = arith.addi %mul3A_131, %mul3A_133 : i32
        %dma_start3A_135 = arith.constant 0 : i32
        %dma_start3A_136 = tpu.memref_slice %arg4[%add3A_134, %dma_start3A_135] : memref<1600000x32xf32, #tpu.memory_space<hbm>> -> memref<512x32xf32, #tpu.memory_space<hbm>>
        %dma_start3A_137 = arith.constant 0 : i32
        %dma_start3A_138 = tpu.memref_slice %arg4[%add3A_134, %dma_start3A_137] : memref<1600000x32xf32, #tpu.memory_space<hbm>> -> memref<512x32xf32, #tpu.memory_space<hbm>>
        tpu.enqueue_dma source(%arg10 : memref<512x32xf32, #tpu.memory_space<vmem>>) target(%dma_start3A_138 : memref<512x32xf32, #tpu.memory_space<hbm>>) target_semaphore(%arg22 : memref<!tpu.dma_semaphore, #tpu.memory_space<semaphore_mem>>)
        %add3A_139 = arith.constant 4 : i32
        %add3A_140 = arith.addi %add3A_106, %add3A_139 : i32
        %lt3A_141 = arith.cmpi slt, %add3A_140, %add3A_3 : i32
        %convert_element_type3A_142 = arith.extui %lt3A_141 : i1 to i32
        %cond3A_143 = arith.constant 0 : i32
        %cond3A_144 = arith.cmpi ne, %convert_element_type3A_142, %cond3A_143 : i32
        scf.if %cond3A_144 {
          %add3A_145 = arith.constant 4 : i32
          %add3A_146 = arith.addi %add3A_106, %add3A_145 : i32
          %mul3A_147 = arith.constant 512 : i32
          %mul3A_148 = arith.muli %add3A, %mul3A_147 : i32
          %mul3A_149 = arith.constant 16384 : i32
          %mul3A_150 = arith.muli %add3A_146, %mul3A_149 : i32
          %add3A_151 = arith.addi %mul3A_148, %mul3A_150 : i32
          %dma_start3A_152 = tpu.memref_slice %arg2[%add3A_151] : memref<1600000xi32, #tpu.memory_space<hbm>> -> memref<512xi32, #tpu.memory_space<hbm>>
          %dma_start3A_153 = tpu.memref_slice %arg2[%add3A_151] : memref<1600000xi32, #tpu.memory_space<hbm>> -> memref<512xi32, #tpu.memory_space<hbm>>
          tpu.enqueue_dma source(%dma_start3A_153 : memref<512xi32, #tpu.memory_space<hbm>>) target(%arg6 : memref<512xi32, #tpu.memory_space<vmem>>) target_semaphore(%arg14 : memref<!tpu.dma_semaphore, #tpu.memory_space<semaphore_mem>>)
        } else {
        }
      } else {
      }
      %mul3A_111 = arith.constant 4 : i32
      %mul3A_112 = arith.muli %scan3A_63, %mul3A_111 : i32
      %add3A_113 = arith.constant 2 : i32
      %add3A_114 = arith.addi %mul3A_112, %add3A_113 : i32
      %lt3A_115 = arith.cmpi slt, %add3A_114, %add3A_3 : i32
      %convert_element_type3A_116 = arith.extui %lt3A_115 : i1 to i32
      %cond3A_117 = arith.constant 0 : i32
      %cond3A_118 = arith.cmpi ne, %convert_element_type3A_116, %cond3A_117 : i32
      scf.if %cond3A_118 {
        %dma_wait3A_127 = arith.constant 0 : i32
        %dma_wait3A_128 = arith.constant 0 : i32
        %dma_wait3A_129 = tpu.memref_slice %arg3[%dma_wait3A_127, %dma_wait3A_128] : memref<100000x32xf32, #tpu.memory_space<hbm>> -> memref<100000x32xf32, #tpu.memory_space<hbm>>
        tpu.wait_indirect_dma semaphore(%arg19 : memref<!tpu.dma_semaphore, #tpu.memory_space<semaphore_mem>>) src(%dma_wait3A_129 : memref<100000x32xf32, #tpu.memory_space<hbm>>) dst(%arg11 : memref<512x32xf32, #tpu.memory_space<vmem>>)
        %mul3A_130 = arith.constant 512 : i32
        %mul3A_131 = arith.muli %add3A, %mul3A_130 : i32
        %mul3A_132 = arith.constant 16384 : i32
        %mul3A_133 = arith.muli %add3A_114, %mul3A_132 : i32
        %add3A_134 = arith.addi %mul3A_131, %mul3A_133 : i32
        %dma_start3A_135 = arith.constant 0 : i32
        %dma_start3A_136 = tpu.memref_slice %arg4[%add3A_134, %dma_start3A_135] : memref<1600000x32xf32, #tpu.memory_space<hbm>> -> memref<512x32xf32, #tpu.memory_space<hbm>>
        %dma_start3A_137 = arith.constant 0 : i32
        %dma_start3A_138 = tpu.memref_slice %arg4[%add3A_134, %dma_start3A_137] : memref<1600000x32xf32, #tpu.memory_space<hbm>> -> memref<512x32xf32, #tpu.memory_space<hbm>>
        tpu.enqueue_dma source(%arg11 : memref<512x32xf32, #tpu.memory_space<vmem>>) target(%dma_start3A_138 : memref<512x32xf32, #tpu.memory_space<hbm>>) target_semaphore(%arg23 : memref<!tpu.dma_semaphore, #tpu.memory_space<semaphore_mem>>)
        %add3A_139 = arith.constant 4 : i32
        %add3A_140 = arith.addi %add3A_114, %add3A_139 : i32
        %lt3A_141 = arith.cmpi slt, %add3A_140, %add3A_3 : i32
        %convert_element_type3A_142 = arith.extui %lt3A_141 : i1 to i32
        %cond3A_143 = arith.constant 0 : i32
        %cond3A_144 = arith.cmpi ne, %convert_element_type3A_142, %cond3A_143 : i32
        scf.if %cond3A_144 {
          %add3A_145 = arith.constant 4 : i32
          %add3A_146 = arith.addi %add3A_114, %add3A_145 : i32
          %mul3A_147 = arith.constant 512 : i32
          %mul3A_148 = arith.muli %add3A, %mul3A_147 : i32
          %mul3A_149 = arith.constant 16384 : i32
          %mul3A_150 = arith.muli %add3A_146, %mul3A_149 : i32
          %add3A_151 = arith.addi %mul3A_148, %mul3A_150 : i32
          %dma_start3A_152 = tpu.memref_slice %arg2[%add3A_151] : memref<1600000xi32, #tpu.memory_space<hbm>> -> memref<512xi32, #tpu.memory_space<hbm>>
          %dma_start3A_153 = tpu.memref_slice %arg2[%add3A_151] : memref<1600000xi32, #tpu.memory_space<hbm>> -> memref<512xi32, #tpu.memory_space<hbm>>
          tpu.enqueue_dma source(%dma_start3A_153 : memref<512xi32, #tpu.memory_space<hbm>>) target(%arg7 : memref<512xi32, #tpu.memory_space<vmem>>) target_semaphore(%arg15 : memref<!tpu.dma_semaphore, #tpu.memory_space<semaphore_mem>>)
        } else {
        }
      } else {
      }
      %mul3A_119 = arith.constant 4 : i32
      %mul3A_120 = arith.muli %scan3A_63, %mul3A_119 : i32
      %add3A_121 = arith.constant 3 : i32
      %add3A_122 = arith.addi %mul3A_120, %add3A_121 : i32
      %lt3A_123 = arith.cmpi slt, %add3A_122, %add3A_3 : i32
      %convert_element_type3A_124 = arith.extui %lt3A_123 : i1 to i32
      %cond3A_125 = arith.constant 0 : i32
      %cond3A_126 = arith.cmpi ne, %convert_element_type3A_124, %cond3A_125 : i32
      scf.if %cond3A_126 {
        %dma_wait3A_127 = arith.constant 0 : i32
        %dma_wait3A_128 = arith.constant 0 : i32
        %dma_wait3A_129 = tpu.memref_slice %arg3[%dma_wait3A_127, %dma_wait3A_128] : memref<100000x32xf32, #tpu.memory_space<hbm>> -> memref<100000x32xf32, #tpu.memory_space<hbm>>
        tpu.wait_indirect_dma semaphore(%arg20 : memref<!tpu.dma_semaphore, #tpu.memory_space<semaphore_mem>>) src(%dma_wait3A_129 : memref<100000x32xf32, #tpu.memory_space<hbm>>) dst(%arg12 : memref<512x32xf32, #tpu.memory_space<vmem>>)
        %mul3A_130 = arith.constant 512 : i32
        %mul3A_131 = arith.muli %add3A, %mul3A_130 : i32
        %mul3A_132 = arith.constant 16384 : i32
        %mul3A_133 = arith.muli %add3A_122, %mul3A_132 : i32
        %add3A_134 = arith.addi %mul3A_131, %mul3A_133 : i32
        %dma_start3A_135 = arith.constant 0 : i32
        %dma_start3A_136 = tpu.memref_slice %arg4[%add3A_134, %dma_start3A_135] : memref<1600000x32xf32, #tpu.memory_space<hbm>> -> memref<512x32xf32, #tpu.memory_space<hbm>>
        %dma_start3A_137 = arith.constant 0 : i32
        %dma_start3A_138 = tpu.memref_slice %arg4[%add3A_134, %dma_start3A_137] : memref<1600000x32xf32, #tpu.memory_space<hbm>> -> memref<512x32xf32, #tpu.memory_space<hbm>>
        tpu.enqueue_dma source(%arg12 : memref<512x32xf32, #tpu.memory_space<vmem>>) target(%dma_start3A_138 : memref<512x32xf32, #tpu.memory_space<hbm>>) target_semaphore(%arg24 : memref<!tpu.dma_semaphore, #tpu.memory_space<semaphore_mem>>)
        %add3A_139 = arith.constant 4 : i32
        %add3A_140 = arith.addi %add3A_122, %add3A_139 : i32
        %lt3A_141 = arith.cmpi slt, %add3A_140, %add3A_3 : i32
        %convert_element_type3A_142 = arith.extui %lt3A_141 : i1 to i32
        %cond3A_143 = arith.constant 0 : i32
        %cond3A_144 = arith.cmpi ne, %convert_element_type3A_142, %cond3A_143 : i32
        scf.if %cond3A_144 {
          %add3A_145 = arith.constant 4 : i32
          %add3A_146 = arith.addi %add3A_122, %add3A_145 : i32
          %mul3A_147 = arith.constant 512 : i32
          %mul3A_148 = arith.muli %add3A, %mul3A_147 : i32
          %mul3A_149 = arith.constant 16384 : i32
          %mul3A_150 = arith.muli %add3A_146, %mul3A_149 : i32
          %add3A_151 = arith.addi %mul3A_148, %mul3A_150 : i32
          %dma_start3A_152 = tpu.memref_slice %arg2[%add3A_151] : memref<1600000xi32, #tpu.memory_space<hbm>> -> memref<512xi32, #tpu.memory_space<hbm>>
          %dma_start3A_153 = tpu.memref_slice %arg2[%add3A_151] : memref<1600000xi32, #tpu.memory_space<hbm>> -> memref<512xi32, #tpu.memory_space<hbm>>
          tpu.enqueue_dma source(%dma_start3A_153 : memref<512xi32, #tpu.memory_space<hbm>>) target(%arg8 : memref<512xi32, #tpu.memory_space<vmem>>) target_semaphore(%arg16 : memref<!tpu.dma_semaphore, #tpu.memory_space<semaphore_mem>>)
        } else {
        }
      } else {
      }
    }
    %scan3A_31 = arith.constant 25 : i32
    %mul3A_32 = arith.constant 512 : i32
    %mul3A_33 = arith.muli %add3A, %mul3A_32 : i32
    %add3A_34 = arith.constant 0 : i32
    %add3A_35 = arith.addi %mul3A_33, %add3A_34 : i32
    %dma_wait3A = arith.constant 0 : i32
    %dma_wait3A_36 = tpu.memref_slice %arg4[%add3A_35, %dma_wait3A] : memref<1600000x32xf32, #tpu.memory_space<hbm>> -> memref<512x32xf32, #tpu.memory_space<hbm>>
    %dma_wait3A_37 = arith.constant 0 : i32
    %dma_wait3A_38 = tpu.memref_slice %arg4[%add3A_35, %dma_wait3A_37] : memref<1600000x32xf32, #tpu.memory_space<hbm>> -> memref<512x32xf32, #tpu.memory_space<hbm>>
    tpu.wait_dma2 semaphore(%arg21 : memref<!tpu.dma_semaphore, #tpu.memory_space<semaphore_mem>>) src(%arg9 : memref<512x32xf32, #tpu.memory_space<vmem>>) dst(%dma_wait3A_38 : memref<512x32xf32, #tpu.memory_space<hbm>>)
    %mul3A_39 = arith.constant 512 : i32
    %mul3A_40 = arith.muli %add3A, %mul3A_39 : i32
    %add3A_41 = arith.constant 0 : i32
    %add3A_42 = arith.addi %mul3A_40, %add3A_41 : i32
    %dma_wait3A_43 = arith.constant 0 : i32
    %dma_wait3A_44 = tpu.memref_slice %arg4[%add3A_42, %dma_wait3A_43] : memref<1600000x32xf32, #tpu.memory_space<hbm>> -> memref<512x32xf32, #tpu.memory_space<hbm>>
    %dma_wait3A_45 = arith.constant 0 : i32
    %dma_wait3A_46 = tpu.memref_slice %arg4[%add3A_42, %dma_wait3A_45] : memref<1600000x32xf32, #tpu.memory_space<hbm>> -> memref<512x32xf32, #tpu.memory_space<hbm>>
    tpu.wait_dma2 semaphore(%arg22 : memref<!tpu.dma_semaphore, #tpu.memory_space<semaphore_mem>>) src(%arg10 : memref<512x32xf32, #tpu.memory_space<vmem>>) dst(%dma_wait3A_46 : memref<512x32xf32, #tpu.memory_space<hbm>>)
    %mul3A_47 = arith.constant 512 : i32
    %mul3A_48 = arith.muli %add3A, %mul3A_47 : i32
    %add3A_49 = arith.constant 0 : i32
    %add3A_50 = arith.addi %mul3A_48, %add3A_49 : i32
    %dma_wait3A_51 = arith.constant 0 : i32
    %dma_wait3A_52 = tpu.memref_slice %arg4[%add3A_50, %dma_wait3A_51] : memref<1600000x32xf32, #tpu.memory_space<hbm>> -> memref<512x32xf32, #tpu.memory_space<hbm>>
    %dma_wait3A_53 = arith.constant 0 : i32
    %dma_wait3A_54 = tpu.memref_slice %arg4[%add3A_50, %dma_wait3A_53] : memref<1600000x32xf32, #tpu.memory_space<hbm>> -> memref<512x32xf32, #tpu.memory_space<hbm>>
    tpu.wait_dma2 semaphore(%arg23 : memref<!tpu.dma_semaphore, #tpu.memory_space<semaphore_mem>>) src(%arg11 : memref<512x32xf32, #tpu.memory_space<vmem>>) dst(%dma_wait3A_54 : memref<512x32xf32, #tpu.memory_space<hbm>>)
    %mul3A_55 = arith.constant 512 : i32
    %mul3A_56 = arith.muli %add3A, %mul3A_55 : i32
    %add3A_57 = arith.constant 0 : i32
    %add3A_58 = arith.addi %mul3A_56, %add3A_57 : i32
    %dma_wait3A_59 = arith.constant 0 : i32
    %dma_wait3A_60 = tpu.memref_slice %arg4[%add3A_58, %dma_wait3A_59] : memref<1600000x32xf32, #tpu.memory_space<hbm>> -> memref<512x32xf32, #tpu.memory_space<hbm>>
    %dma_wait3A_61 = arith.constant 0 : i32
    %dma_wait3A_62 = tpu.memref_slice %arg4[%add3A_58, %dma_wait3A_61] : memref<1600000x32xf32, #tpu.memory_space<hbm>> -> memref<512x32xf32, #tpu.memory_space<hbm>>
    tpu.wait_dma2 semaphore(%arg24 : memref<!tpu.dma_semaphore, #tpu.memory_space<semaphore_mem>>) src(%arg12 : memref<512x32xf32, #tpu.memory_space<vmem>>) dst(%dma_wait3A_62 : memref<512x32xf32, #tpu.memory_space<hbm>>)
    return
  }
}

module attributes {stable_mosaic.version = 14 : i64} {
  func.func @_tc_body(%arg0: i32, %arg1: memref<16x200x128xf32, #tpu.memory_space<vmem>>, %arg2: memref<200x128xf32, #tpu.memory_space<vmem>>, %arg3: memref<128x32xf32, #tpu.memory_space<vmem>>, %arg4: memref<16x32xf32, #tpu.memory_space<vmem>>, %arg5: memref<32x32xf32, #tpu.memory_space<vmem>>, %arg6: memref<32x64xf32, #tpu.memory_space<vmem>>, %arg7: memref<128x1216xf32, #tpu.memory_space<vmem>>, %arg8: memref<16x1216xf32, #tpu.memory_space<vmem>>, %arg9: memref<64x1216xf32, #tpu.memory_space<vmem>>, %arg10: memref<128x16xf32, #tpu.memory_space<vmem>>, %arg11: memref<1216x256xf32, #tpu.memory_space<vmem>>, %arg12: memref<1x32xf32, #tpu.memory_space<vmem>>, %arg13: memref<1x32xf32, #tpu.memory_space<vmem>>, %arg14: memref<1x64xf32, #tpu.memory_space<vmem>>, %arg15: memref<1x256xf32, #tpu.memory_space<vmem>>, %arg16: memref<200x256xf32, #tpu.memory_space<vmem>>, %arg17: memref<16x200x16xf32, #tpu.memory_space<vmem>>) attributes {dimension_semantics = [#tpu.dimension_semantics<arbitrary>], iteration_bounds = array<i64: 125>, scalar_prefetch = 0 : i64, scratch_operands = 0 : i64, tpu.core_type = #tpu.core_type<tc>, window_params = [{transform_indices = @transform_0, window_bounds = array<i64: 16, 200, 128>}, {transform_indices = @transform_1, window_bounds = array<i64: 200, 128>}, {pipeline_mode = #tpu.pipeline_mode<synchronous>, transform_indices = @transform_2, window_bounds = array<i64: 128, 32>}, {pipeline_mode = #tpu.pipeline_mode<synchronous>, transform_indices = @transform_3, window_bounds = array<i64: 16, 32>}, {pipeline_mode = #tpu.pipeline_mode<synchronous>, transform_indices = @transform_4, window_bounds = array<i64: 32, 32>}, {pipeline_mode = #tpu.pipeline_mode<synchronous>, transform_indices = @transform_5, window_bounds = array<i64: 32, 64>}, {pipeline_mode = #tpu.pipeline_mode<synchronous>, transform_indices = @transform_6, window_bounds = array<i64: 128, 1216>}, {pipeline_mode = #tpu.pipeline_mode<synchronous>, transform_indices = @transform_7, window_bounds = array<i64: 16, 1216>}, {pipeline_mode = #tpu.pipeline_mode<synchronous>, transform_indices = @transform_8, window_bounds = array<i64: 64, 1216>}, {pipeline_mode = #tpu.pipeline_mode<synchronous>, transform_indices = @transform_9, window_bounds = array<i64: 128, 16>}, {pipeline_mode = #tpu.pipeline_mode<synchronous>, transform_indices = @transform_10, window_bounds = array<i64: 1216, 256>}, {pipeline_mode = #tpu.pipeline_mode<synchronous>, transform_indices = @transform_11, window_bounds = array<i64: 1, 32>}, {pipeline_mode = #tpu.pipeline_mode<synchronous>, transform_indices = @transform_12, window_bounds = array<i64: 1, 32>}, {pipeline_mode = #tpu.pipeline_mode<synchronous>, transform_indices = @transform_13, window_bounds = array<i64: 1, 64>}, {pipeline_mode = #tpu.pipeline_mode<synchronous>, transform_indices = @transform_14, window_bounds = array<i64: 1, 256>}, {transform_indices = @transform_15, window_bounds = array<i64: 200, 256>}, {transform_indices = @transform_16, window_bounds = array<i64: 16, 200, 16>}]} {
    %get3A = arith.constant 0 : index
    %get3A_0 = arith.constant 0 : index
    %get3A_1 = arith.constant 0 : index
    %get3A_2 = vector.load %arg1[%get3A, %get3A_0, %get3A_1] : memref<16x200x128xf32, #tpu.memory_space<vmem>>, vector<16x200x128xf32>
    %reshape3A = vector.shape_cast %get3A_2 : vector<16x200x128xf32> to vector<3200x128xf32>
    %get3A_3 = arith.constant 0 : index
    %get3A_4 = arith.constant 0 : index
    %get3A_5 = vector.load %arg2[%get3A_3, %get3A_4] : memref<200x128xf32, #tpu.memory_space<vmem>>, vector<200x128xf32>
    %get3A_6 = arith.constant 0 : index
    %get3A_7 = arith.constant 0 : index
    %get3A_8 = vector.load %arg10[%get3A_6, %get3A_7] : memref<128x16xf32, #tpu.memory_space<vmem>>, vector<128x16xf32>
    %dot_general3A = arith.constant dense<0.000000e+00> : vector<200x16xf32>
    %dot_general3A_9 = tpu.matmul %get3A_5, %get3A_8, %dot_general3A {dimension_numbers = #tpu.dot_dimension_numbers<[1], [0], [0], [1], [0, 0, 1, 1], [], []>, transpose_lhs_hint = false} : vector<200x128xf32>, vector<128x16xf32>, vector<200x16xf32> -> vector<200x16xf32>
    %get3A_10 = arith.constant 0 : index
    %get3A_11 = arith.constant 0 : index
    %get3A_12 = vector.load %arg4[%get3A_10, %get3A_11] : memref<16x32xf32, #tpu.memory_space<vmem>>, vector<16x32xf32>
    %dot_general3A_13 = arith.constant dense<0.000000e+00> : vector<200x32xf32>
    %dot_general3A_14 = tpu.matmul %dot_general3A_9, %get3A_12, %dot_general3A_13 {dimension_numbers = #tpu.dot_dimension_numbers<[1], [0], [0], [1], [0, 0, 1, 1], [], []>, transpose_lhs_hint = false} : vector<200x16xf32>, vector<16x32xf32>, vector<200x32xf32> -> vector<200x32xf32>
    %get3A_15 = arith.constant 0 : index
    %get3A_16 = arith.constant 0 : index
    %get3A_17 = vector.load %arg3[%get3A_15, %get3A_16] : memref<128x32xf32, #tpu.memory_space<vmem>>, vector<128x32xf32>
    %dot_general3A_18 = arith.constant dense<0.000000e+00> : vector<3200x32xf32>
    %dot_general3A_19 = tpu.matmul %reshape3A, %get3A_17, %dot_general3A_18 {dimension_numbers = #tpu.dot_dimension_numbers<[1], [0], [0], [1], [0, 0, 1, 1], [], []>, transpose_lhs_hint = false} : vector<3200x128xf32>, vector<128x32xf32>, vector<3200x32xf32> -> vector<3200x32xf32>
    %reshape3A_20 = vector.shape_cast %dot_general3A_19 : vector<3200x32xf32> to vector<16x200x32xf32>
    %broadcast_in_dim3A = vector.shape_cast %dot_general3A_14 : vector<200x32xf32> to vector<1x200x32xf32>
    %sub3A = vector.broadcast %broadcast_in_dim3A : vector<1x200x32xf32> to vector<16x200x32xf32>
    %sub3A_21 = arith.subf %reshape3A_20, %sub3A : vector<16x200x32xf32>
    %get3A_22 = arith.constant 0 : index
    %get3A_23 = arith.constant 0 : index
    %get3A_24 = vector.load %arg12[%get3A_22, %get3A_23] : memref<1x32xf32, #tpu.memory_space<vmem>>, vector<1x32xf32>
    %broadcast_in_dim3A_25 = vector.shape_cast %get3A_24 : vector<1x32xf32> to vector<1x1x32xf32>
    %add3A = vector.broadcast %broadcast_in_dim3A_25 : vector<1x1x32xf32> to vector<16x200x32xf32>
    %add3A_26 = arith.addf %sub3A_21, %add3A : vector<16x200x32xf32>
    %max3A = arith.constant 0.000000e+00 : f32
    %max3A_27 = vector.broadcast %max3A : f32 to vector<16x200x32xf32>
    %max3A_28 = arith.maximumf %add3A_26, %max3A_27 : vector<16x200x32xf32>
    %reshape3A_29 = vector.shape_cast %max3A_28 : vector<16x200x32xf32> to vector<3200x32xf32>
    %get3A_30 = arith.constant 0 : index
    %get3A_31 = arith.constant 0 : index
    %get3A_32 = vector.load %arg5[%get3A_30, %get3A_31] : memref<32x32xf32, #tpu.memory_space<vmem>>, vector<32x32xf32>
    %dot_general3A_33 = arith.constant dense<0.000000e+00> : vector<3200x32xf32>
    %dot_general3A_34 = tpu.matmul %reshape3A_29, %get3A_32, %dot_general3A_33 {dimension_numbers = #tpu.dot_dimension_numbers<[1], [0], [0], [1], [0, 0, 1, 1], [], []>, transpose_lhs_hint = false} : vector<3200x32xf32>, vector<32x32xf32>, vector<3200x32xf32> -> vector<3200x32xf32>
    %get3A_35 = arith.constant 0 : index
    %get3A_36 = arith.constant 0 : index
    %get3A_37 = vector.load %arg13[%get3A_35, %get3A_36] : memref<1x32xf32, #tpu.memory_space<vmem>>, vector<1x32xf32>
    %add3A_38 = vector.broadcast %get3A_37 : vector<1x32xf32> to vector<3200x32xf32>
    %add3A_39 = arith.addf %dot_general3A_34, %add3A_38 : vector<3200x32xf32>
    %max3A_40 = arith.constant 0.000000e+00 : f32
    %max3A_41 = vector.broadcast %max3A_40 : f32 to vector<3200x32xf32>
    %max3A_42 = arith.maximumf %add3A_39, %max3A_41 : vector<3200x32xf32>
    %get3A_43 = arith.constant 0 : index
    %get3A_44 = arith.constant 0 : index
    %get3A_45 = vector.load %arg6[%get3A_43, %get3A_44] : memref<32x64xf32, #tpu.memory_space<vmem>>, vector<32x64xf32>
    %dot_general3A_46 = arith.constant dense<0.000000e+00> : vector<3200x64xf32>
    %dot_general3A_47 = tpu.matmul %max3A_42, %get3A_45, %dot_general3A_46 {dimension_numbers = #tpu.dot_dimension_numbers<[1], [0], [0], [1], [0, 0, 1, 1], [], []>, transpose_lhs_hint = false} : vector<3200x32xf32>, vector<32x64xf32>, vector<3200x64xf32> -> vector<3200x64xf32>
    %get3A_48 = arith.constant 0 : index
    %get3A_49 = arith.constant 0 : index
    %get3A_50 = vector.load %arg14[%get3A_48, %get3A_49] : memref<1x64xf32, #tpu.memory_space<vmem>>, vector<1x64xf32>
    %add3A_51 = vector.broadcast %get3A_50 : vector<1x64xf32> to vector<3200x64xf32>
    %add3A_52 = arith.addf %dot_general3A_47, %add3A_51 : vector<3200x64xf32>
    %max3A_53 = arith.constant 0.000000e+00 : f32
    %max3A_54 = vector.broadcast %max3A_53 : f32 to vector<3200x64xf32>
    %max3A_55 = arith.maximumf %add3A_52, %max3A_54 : vector<3200x64xf32>
    %reshape3A_56 = vector.shape_cast %max3A_55 : vector<3200x64xf32> to vector<16x200x64xf32>
    %get3A_57 = arith.constant 0 : index
    %get3A_58 = arith.constant 0 : index
    %get3A_59 = vector.load %arg10[%get3A_57, %get3A_58] : memref<128x16xf32, #tpu.memory_space<vmem>>, vector<128x16xf32>
    %dot_general3A_60 = arith.constant dense<0.000000e+00> : vector<3200x16xf32>
    %dot_general3A_61 = tpu.matmul %reshape3A, %get3A_59, %dot_general3A_60 {dimension_numbers = #tpu.dot_dimension_numbers<[1], [0], [0], [1], [0, 0, 1, 1], [], []>, transpose_lhs_hint = false} : vector<3200x128xf32>, vector<128x16xf32>, vector<3200x16xf32> -> vector<3200x16xf32>
    %reshape3A_62 = vector.shape_cast %dot_general3A_61 : vector<3200x16xf32> to vector<16x200x16xf32>
    %broadcast_in_dim3A_63 = vector.shape_cast %dot_general3A_9 : vector<200x16xf32> to vector<1x200x16xf32>
    %sub3A_64 = vector.broadcast %broadcast_in_dim3A_63 : vector<1x200x16xf32> to vector<16x200x16xf32>
    %sub3A_65 = arith.subf %reshape3A_62, %sub3A_64 : vector<16x200x16xf32>
    %swap3A = arith.constant 0 : index
    %swap3A_66 = arith.constant 0 : index
    %swap3A_67 = arith.constant 0 : index
    %swap3A_68 = vector.load %arg17[%swap3A, %swap3A_66, %swap3A_67] : memref<16x200x16xf32, #tpu.memory_space<vmem>>, vector<16x200x16xf32>
    tpu.vector_store %arg17[%swap3A, %swap3A_66, %swap3A_67], %sub3A_65 {strides = array<i32>} : memref<16x200x16xf32, #tpu.memory_space<vmem>>, vector<16x200x16xf32>,
    %get3A_69 = arith.constant 0 : index
    %get3A_70 = arith.constant 0 : index
    %get3A_71 = vector.load %arg8[%get3A_69, %get3A_70] : memref<16x1216xf32, #tpu.memory_space<vmem>>, vector<16x1216xf32>
    %dot_general3A_72 = arith.constant dense<0.000000e+00> : vector<200x1216xf32>
    %dot_general3A_73 = tpu.matmul %dot_general3A_9, %get3A_71, %dot_general3A_72 {dimension_numbers = #tpu.dot_dimension_numbers<[1], [0], [0], [1], [0, 0, 1, 1], [], []>, transpose_lhs_hint = false} : vector<200x16xf32>, vector<16x1216xf32>, vector<200x1216xf32> -> vector<200x1216xf32>
    %convert_element_type3A = arith.truncf %get3A_2 : vector<16x200x128xf32> to vector<16x200x128xbf16>
    %convert_element_type3A_74 = arith.truncf %reshape3A_56 : vector<16x200x64xf32> to vector<16x200x64xbf16>
    %get3A_75 = arith.constant 0 : index
    %get3A_76 = arith.constant 0 : index
    %get3A_77 = vector.load %arg7[%get3A_75, %get3A_76] : memref<128x1216xf32, #tpu.memory_space<vmem>>, vector<128x1216xf32>
    %convert_element_type3A_78 = arith.truncf %get3A_77 : vector<128x1216xf32> to vector<128x1216xbf16>
    %get3A_79 = arith.constant 0 : index
    %get3A_80 = arith.constant 0 : index
    %get3A_81 = vector.load %arg9[%get3A_79, %get3A_80] : memref<64x1216xf32, #tpu.memory_space<vmem>>, vector<64x1216xf32>
    %convert_element_type3A_82 = arith.truncf %get3A_81 : vector<64x1216xf32> to vector<64x1216xbf16>
    %slice3A = vector.extract_strided_slice %convert_element_type3A {offsets = [0, 0, 0], sizes = [4, 200, 128], strides = [1, 1, 1]} : vector<16x200x128xbf16> to vector<4x200x128xbf16>
    %reshape3A_83 = vector.shape_cast %slice3A : vector<4x200x128xbf16> to vector<800x128xbf16>
    %slice3A_84 = vector.extract_strided_slice %convert_element_type3A_74 {offsets = [0, 0, 0], sizes = [4, 200, 64], strides = [1, 1, 1]} : vector<16x200x64xbf16> to vector<4x200x64xbf16>
    %reshape3A_85 = vector.shape_cast %slice3A_84 : vector<4x200x64xbf16> to vector<800x64xbf16>
    %dot_general3A_86 = arith.constant dense<0.000000e+00> : vector<800x1216xf32>
    %dot_general3A_87 = tpu.matmul %reshape3A_83, %convert_element_type3A_78, %dot_general3A_86 {dimension_numbers = #tpu.dot_dimension_numbers<[1], [0], [0], [1], [0, 0, 1, 1], [], []>, transpose_lhs_hint = false} : vector<800x128xbf16>, vector<128x1216xbf16>, vector<800x1216xf32> -> vector<800x1216xf32>
    %reshape3A_88 = vector.shape_cast %dot_general3A_87 : vector<800x1216xf32> to vector<4x200x1216xf32>
    %broadcast_in_dim3A_89 = vector.shape_cast %dot_general3A_73 : vector<200x1216xf32> to vector<1x200x1216xf32>
    %sub3A_90 = vector.broadcast %broadcast_in_dim3A_89 : vector<1x200x1216xf32> to vector<4x200x1216xf32>
    %sub3A_91 = arith.subf %reshape3A_88, %sub3A_90 : vector<4x200x1216xf32>
    %dot_general3A_92 = arith.constant dense<0.000000e+00> : vector<800x1216xf32>
    %dot_general3A_93 = tpu.matmul %reshape3A_85, %convert_element_type3A_82, %dot_general3A_92 {dimension_numbers = #tpu.dot_dimension_numbers<[1], [0], [0], [1], [0, 0, 1, 1], [], []>, transpose_lhs_hint = false} : vector<800x64xbf16>, vector<64x1216xbf16>, vector<800x1216xf32> -> vector<800x1216xf32>
    %reshape3A_94 = vector.shape_cast %dot_general3A_93 : vector<800x1216xf32> to vector<4x200x1216xf32>
    %mul3A = arith.mulf %sub3A_91, %reshape3A_94 : vector<4x200x1216xf32>
    %slice3A_95 = vector.extract_strided_slice %mul3A {offsets = [0, 0, 0], sizes = [1, 200, 1216], strides = [1, 1, 1]} : vector<4x200x1216xf32> to vector<1x200x1216xf32>
    %squeeze3A = vector.shape_cast %slice3A_95 : vector<1x200x1216xf32> to vector<200x1216xf32>
    %slice3A_96 = vector.extract_strided_slice %mul3A {offsets = [1, 0, 0], sizes = [1, 200, 1216], strides = [1, 1, 1]} : vector<4x200x1216xf32> to vector<1x200x1216xf32>
    %squeeze3A_97 = vector.shape_cast %slice3A_96 : vector<1x200x1216xf32> to vector<200x1216xf32>
    %add3A_98 = arith.addf %squeeze3A, %squeeze3A_97 : vector<200x1216xf32>
    %slice3A_99 = vector.extract_strided_slice %mul3A {offsets = [2, 0, 0], sizes = [1, 200, 1216], strides = [1, 1, 1]} : vector<4x200x1216xf32> to vector<1x200x1216xf32>
    %squeeze3A_100 = vector.shape_cast %slice3A_99 : vector<1x200x1216xf32> to vector<200x1216xf32>
    %slice3A_101 = vector.extract_strided_slice %mul3A {offsets = [3, 0, 0], sizes = [1, 200, 1216], strides = [1, 1, 1]} : vector<4x200x1216xf32> to vector<1x200x1216xf32>
    %squeeze3A_102 = vector.shape_cast %slice3A_101 : vector<1x200x1216xf32> to vector<200x1216xf32>
    %add3A_103 = arith.addf %squeeze3A_100, %squeeze3A_102 : vector<200x1216xf32>
    %add3A_104 = arith.addf %add3A_98, %add3A_103 : vector<200x1216xf32>
    %slice3A_105 = vector.extract_strided_slice %convert_element_type3A {offsets = [4, 0, 0], sizes = [4, 200, 128], strides = [1, 1, 1]} : vector<16x200x128xbf16> to vector<4x200x128xbf16>
    %reshape3A_106 = vector.shape_cast %slice3A_105 : vector<4x200x128xbf16> to vector<800x128xbf16>
    %slice3A_107 = vector.extract_strided_slice %convert_element_type3A_74 {offsets = [4, 0, 0], sizes = [4, 200, 64], strides = [1, 1, 1]} : vector<16x200x64xbf16> to vector<4x200x64xbf16>
    %reshape3A_108 = vector.shape_cast %slice3A_107 : vector<4x200x64xbf16> to vector<800x64xbf16>
    %dot_general3A_109 = arith.constant dense<0.000000e+00> : vector<800x1216xf32>
    %dot_general3A_110 = tpu.matmul %reshape3A_106, %convert_element_type3A_78, %dot_general3A_109 {dimension_numbers = #tpu.dot_dimension_numbers<[1], [0], [0], [1], [0, 0, 1, 1], [], []>, transpose_lhs_hint = false} : vector<800x128xbf16>, vector<128x1216xbf16>, vector<800x1216xf32> -> vector<800x1216xf32>
    %reshape3A_111 = vector.shape_cast %dot_general3A_110 : vector<800x1216xf32> to vector<4x200x1216xf32>
    %broadcast_in_dim3A_112 = vector.shape_cast %dot_general3A_73 : vector<200x1216xf32> to vector<1x200x1216xf32>
    %sub3A_113 = vector.broadcast %broadcast_in_dim3A_112 : vector<1x200x1216xf32> to vector<4x200x1216xf32>
    %sub3A_114 = arith.subf %reshape3A_111, %sub3A_113 : vector<4x200x1216xf32>
    %dot_general3A_115 = arith.constant dense<0.000000e+00> : vector<800x1216xf32>
    %dot_general3A_116 = tpu.matmul %reshape3A_108, %convert_element_type3A_82, %dot_general3A_115 {dimension_numbers = #tpu.dot_dimension_numbers<[1], [0], [0], [1], [0, 0, 1, 1], [], []>, transpose_lhs_hint = false} : vector<800x64xbf16>, vector<64x1216xbf16>, vector<800x1216xf32> -> vector<800x1216xf32>
    %reshape3A_117 = vector.shape_cast %dot_general3A_116 : vector<800x1216xf32> to vector<4x200x1216xf32>
    %mul3A_118 = arith.mulf %sub3A_114, %reshape3A_117 : vector<4x200x1216xf32>
    %slice3A_119 = vector.extract_strided_slice %mul3A_118 {offsets = [0, 0, 0], sizes = [1, 200, 1216], strides = [1, 1, 1]} : vector<4x200x1216xf32> to vector<1x200x1216xf32>
    %squeeze3A_120 = vector.shape_cast %slice3A_119 : vector<1x200x1216xf32> to vector<200x1216xf32>
    %slice3A_121 = vector.extract_strided_slice %mul3A_118 {offsets = [1, 0, 0], sizes = [1, 200, 1216], strides = [1, 1, 1]} : vector<4x200x1216xf32> to vector<1x200x1216xf32>
    %squeeze3A_122 = vector.shape_cast %slice3A_121 : vector<1x200x1216xf32> to vector<200x1216xf32>
    %add3A_123 = arith.addf %squeeze3A_120, %squeeze3A_122 : vector<200x1216xf32>
    %slice3A_124 = vector.extract_strided_slice %mul3A_118 {offsets = [2, 0, 0], sizes = [1, 200, 1216], strides = [1, 1, 1]} : vector<4x200x1216xf32> to vector<1x200x1216xf32>
    %squeeze3A_125 = vector.shape_cast %slice3A_124 : vector<1x200x1216xf32> to vector<200x1216xf32>
    %slice3A_126 = vector.extract_strided_slice %mul3A_118 {offsets = [3, 0, 0], sizes = [1, 200, 1216], strides = [1, 1, 1]} : vector<4x200x1216xf32> to vector<1x200x1216xf32>
    %squeeze3A_127 = vector.shape_cast %slice3A_126 : vector<1x200x1216xf32> to vector<200x1216xf32>
    %add3A_128 = arith.addf %squeeze3A_125, %squeeze3A_127 : vector<200x1216xf32>
    %add3A_129 = arith.addf %add3A_123, %add3A_128 : vector<200x1216xf32>
    %add3A_130 = arith.addf %add3A_104, %add3A_129 : vector<200x1216xf32>
    %slice3A_131 = vector.extract_strided_slice %convert_element_type3A {offsets = [8, 0, 0], sizes = [4, 200, 128], strides = [1, 1, 1]} : vector<16x200x128xbf16> to vector<4x200x128xbf16>
    %reshape3A_132 = vector.shape_cast %slice3A_131 : vector<4x200x128xbf16> to vector<800x128xbf16>
    %slice3A_133 = vector.extract_strided_slice %convert_element_type3A_74 {offsets = [8, 0, 0], sizes = [4, 200, 64], strides = [1, 1, 1]} : vector<16x200x64xbf16> to vector<4x200x64xbf16>
    %reshape3A_134 = vector.shape_cast %slice3A_133 : vector<4x200x64xbf16> to vector<800x64xbf16>
    %dot_general3A_135 = arith.constant dense<0.000000e+00> : vector<800x1216xf32>
    %dot_general3A_136 = tpu.matmul %reshape3A_132, %convert_element_type3A_78, %dot_general3A_135 {dimension_numbers = #tpu.dot_dimension_numbers<[1], [0], [0], [1], [0, 0, 1, 1], [], []>, transpose_lhs_hint = false} : vector<800x128xbf16>, vector<128x1216xbf16>, vector<800x1216xf32> -> vector<800x1216xf32>
    %reshape3A_137 = vector.shape_cast %dot_general3A_136 : vector<800x1216xf32> to vector<4x200x1216xf32>
    %broadcast_in_dim3A_138 = vector.shape_cast %dot_general3A_73 : vector<200x1216xf32> to vector<1x200x1216xf32>
    %sub3A_139 = vector.broadcast %broadcast_in_dim3A_138 : vector<1x200x1216xf32> to vector<4x200x1216xf32>
    %sub3A_140 = arith.subf %reshape3A_137, %sub3A_139 : vector<4x200x1216xf32>
    %dot_general3A_141 = arith.constant dense<0.000000e+00> : vector<800x1216xf32>
    %dot_general3A_142 = tpu.matmul %reshape3A_134, %convert_element_type3A_82, %dot_general3A_141 {dimension_numbers = #tpu.dot_dimension_numbers<[1], [0], [0], [1], [0, 0, 1, 1], [], []>, transpose_lhs_hint = false} : vector<800x64xbf16>, vector<64x1216xbf16>, vector<800x1216xf32> -> vector<800x1216xf32>
    %reshape3A_143 = vector.shape_cast %dot_general3A_142 : vector<800x1216xf32> to vector<4x200x1216xf32>
    %mul3A_144 = arith.mulf %sub3A_140, %reshape3A_143 : vector<4x200x1216xf32>
    %slice3A_145 = vector.extract_strided_slice %mul3A_144 {offsets = [0, 0, 0], sizes = [1, 200, 1216], strides = [1, 1, 1]} : vector<4x200x1216xf32> to vector<1x200x1216xf32>
    %squeeze3A_146 = vector.shape_cast %slice3A_145 : vector<1x200x1216xf32> to vector<200x1216xf32>
    %slice3A_147 = vector.extract_strided_slice %mul3A_144 {offsets = [1, 0, 0], sizes = [1, 200, 1216], strides = [1, 1, 1]} : vector<4x200x1216xf32> to vector<1x200x1216xf32>
    %squeeze3A_148 = vector.shape_cast %slice3A_147 : vector<1x200x1216xf32> to vector<200x1216xf32>
    %add3A_149 = arith.addf %squeeze3A_146, %squeeze3A_148 : vector<200x1216xf32>
    %slice3A_150 = vector.extract_strided_slice %mul3A_144 {offsets = [2, 0, 0], sizes = [1, 200, 1216], strides = [1, 1, 1]} : vector<4x200x1216xf32> to vector<1x200x1216xf32>
    %squeeze3A_151 = vector.shape_cast %slice3A_150 : vector<1x200x1216xf32> to vector<200x1216xf32>
    %slice3A_152 = vector.extract_strided_slice %mul3A_144 {offsets = [3, 0, 0], sizes = [1, 200, 1216], strides = [1, 1, 1]} : vector<4x200x1216xf32> to vector<1x200x1216xf32>
    %squeeze3A_153 = vector.shape_cast %slice3A_152 : vector<1x200x1216xf32> to vector<200x1216xf32>
    %add3A_154 = arith.addf %squeeze3A_151, %squeeze3A_153 : vector<200x1216xf32>
    %add3A_155 = arith.addf %add3A_149, %add3A_154 : vector<200x1216xf32>
    %add3A_156 = arith.addf %add3A_130, %add3A_155 : vector<200x1216xf32>
    %slice3A_157 = vector.extract_strided_slice %convert_element_type3A {offsets = [12, 0, 0], sizes = [4, 200, 128], strides = [1, 1, 1]} : vector<16x200x128xbf16> to vector<4x200x128xbf16>
    %reshape3A_158 = vector.shape_cast %slice3A_157 : vector<4x200x128xbf16> to vector<800x128xbf16>
    %slice3A_159 = vector.extract_strided_slice %convert_element_type3A_74 {offsets = [12, 0, 0], sizes = [4, 200, 64], strides = [1, 1, 1]} : vector<16x200x64xbf16> to vector<4x200x64xbf16>
    %reshape3A_160 = vector.shape_cast %slice3A_159 : vector<4x200x64xbf16> to vector<800x64xbf16>
    %dot_general3A_161 = arith.constant dense<0.000000e+00> : vector<800x1216xf32>
    %dot_general3A_162 = tpu.matmul %reshape3A_158, %convert_element_type3A_78, %dot_general3A_161 {dimension_numbers = #tpu.dot_dimension_numbers<[1], [0], [0], [1], [0, 0, 1, 1], [], []>, transpose_lhs_hint = false} : vector<800x128xbf16>, vector<128x1216xbf16>, vector<800x1216xf32> -> vector<800x1216xf32>
    %reshape3A_163 = vector.shape_cast %dot_general3A_162 : vector<800x1216xf32> to vector<4x200x1216xf32>
    %broadcast_in_dim3A_164 = vector.shape_cast %dot_general3A_73 : vector<200x1216xf32> to vector<1x200x1216xf32>
    %sub3A_165 = vector.broadcast %broadcast_in_dim3A_164 : vector<1x200x1216xf32> to vector<4x200x1216xf32>
    %sub3A_166 = arith.subf %reshape3A_163, %sub3A_165 : vector<4x200x1216xf32>
    %dot_general3A_167 = arith.constant dense<0.000000e+00> : vector<800x1216xf32>
    %dot_general3A_168 = tpu.matmul %reshape3A_160, %convert_element_type3A_82, %dot_general3A_167 {dimension_numbers = #tpu.dot_dimension_numbers<[1], [0], [0], [1], [0, 0, 1, 1], [], []>, transpose_lhs_hint = false} : vector<800x64xbf16>, vector<64x1216xbf16>, vector<800x1216xf32> -> vector<800x1216xf32>
    %reshape3A_169 = vector.shape_cast %dot_general3A_168 : vector<800x1216xf32> to vector<4x200x1216xf32>
    %mul3A_170 = arith.mulf %sub3A_166, %reshape3A_169 : vector<4x200x1216xf32>
    %slice3A_171 = vector.extract_strided_slice %mul3A_170 {offsets = [0, 0, 0], sizes = [1, 200, 1216], strides = [1, 1, 1]} : vector<4x200x1216xf32> to vector<1x200x1216xf32>
    %squeeze3A_172 = vector.shape_cast %slice3A_171 : vector<1x200x1216xf32> to vector<200x1216xf32>
    %slice3A_173 = vector.extract_strided_slice %mul3A_170 {offsets = [1, 0, 0], sizes = [1, 200, 1216], strides = [1, 1, 1]} : vector<4x200x1216xf32> to vector<1x200x1216xf32>
    %squeeze3A_174 = vector.shape_cast %slice3A_173 : vector<1x200x1216xf32> to vector<200x1216xf32>
    %add3A_175 = arith.addf %squeeze3A_172, %squeeze3A_174 : vector<200x1216xf32>
    %slice3A_176 = vector.extract_strided_slice %mul3A_170 {offsets = [2, 0, 0], sizes = [1, 200, 1216], strides = [1, 1, 1]} : vector<4x200x1216xf32> to vector<1x200x1216xf32>
    %squeeze3A_177 = vector.shape_cast %slice3A_176 : vector<1x200x1216xf32> to vector<200x1216xf32>
    %slice3A_178 = vector.extract_strided_slice %mul3A_170 {offsets = [3, 0, 0], sizes = [1, 200, 1216], strides = [1, 1, 1]} : vector<4x200x1216xf32> to vector<1x200x1216xf32>
    %squeeze3A_179 = vector.shape_cast %slice3A_178 : vector<1x200x1216xf32> to vector<200x1216xf32>
    %add3A_180 = arith.addf %squeeze3A_177, %squeeze3A_179 : vector<200x1216xf32>
    %add3A_181 = arith.addf %add3A_175, %add3A_180 : vector<200x1216xf32>
    %add3A_182 = arith.addf %add3A_156, %add3A_181 : vector<200x1216xf32>
    %get3A_183 = arith.constant 0 : index
    %get3A_184 = arith.constant 0 : index
    %get3A_185 = vector.load %arg11[%get3A_183, %get3A_184] : memref<1216x256xf32, #tpu.memory_space<vmem>>, vector<1216x256xf32>
    %dot_general3A_186 = arith.constant dense<0.000000e+00> : vector<200x256xf32>
    %dot_general3A_187 = tpu.matmul %add3A_182, %get3A_185, %dot_general3A_186 {dimension_numbers = #tpu.dot_dimension_numbers<[1], [0], [0], [1], [0, 0, 1, 1], [], []>, transpose_lhs_hint = false} : vector<200x1216xf32>, vector<1216x256xf32>, vector<200x256xf32> -> vector<200x256xf32>
    %get3A_188 = arith.constant 0 : index
    %get3A_189 = arith.constant 0 : index
    %get3A_190 = vector.load %arg15[%get3A_188, %get3A_189] : memref<1x256xf32, #tpu.memory_space<vmem>>, vector<1x256xf32>
    %add3A_191 = vector.broadcast %get3A_190 : vector<1x256xf32> to vector<200x256xf32>
    %add3A_192 = arith.addf %dot_general3A_187, %add3A_191 : vector<200x256xf32>
    %max3A_193 = arith.constant 0.000000e+00 : f32
    %max3A_194 = vector.broadcast %max3A_193 : f32 to vector<200x256xf32>
    %max3A_195 = arith.maximumf %add3A_192, %max3A_194 : vector<200x256xf32>
    %swap3A_196 = arith.constant 0 : index
    %swap3A_197 = arith.constant 0 : index
    %swap3A_198 = vector.load %arg16[%swap3A_196, %swap3A_197] : memref<200x256xf32, #tpu.memory_space<vmem>>, vector<200x256xf32>
    tpu.vector_store %arg16[%swap3A_196, %swap3A_197], %max3A_195 {strides = array<i32>} : memref<200x256xf32, #tpu.memory_space<vmem>>, vector<200x256xf32>,
    return
  }
  func.func @transform_0(%arg0: i32) -> (i32, i32, i32) {
    %c0_i32 = arith.constant 0 : i32
    %c0_i32_0 = arith.constant 0 : i32
    %c0_i32_1 = arith.constant 0 : i32
    return %c0_i32, %arg0, %c0_i32_0 : i32, i32, i32
  }
  func.func @transform_1(%arg0: i32) -> (i32, i32) {
    %c0_i32 = arith.constant 0 : i32
    %c0_i32_0 = arith.constant 0 : i32
    return %arg0, %c0_i32 : i32, i32
  }
  func.func @transform_2(%arg0: i32) -> (i32, i32) {
    %c0_i32 = arith.constant 0 : i32
    %c0_i32_0 = arith.constant 0 : i32
    %c0_i32_1 = arith.constant 0 : i32
    return %c0_i32, %c0_i32_0 : i32, i32
  }
  func.func @transform_3(%arg0: i32) -> (i32, i32) {
    %c0_i32 = arith.constant 0 : i32
    %c0_i32_0 = arith.constant 0 : i32
    %c0_i32_1 = arith.constant 0 : i32
    return %c0_i32, %c0_i32_0 : i32, i32
  }
  func.func @transform_4(%arg0: i32) -> (i32, i32) {
    %c0_i32 = arith.constant 0 : i32
    %c0_i32_0 = arith.constant 0 : i32
    %c0_i32_1 = arith.constant 0 : i32
    return %c0_i32, %c0_i32_0 : i32, i32
  }
  func.func @transform_5(%arg0: i32) -> (i32, i32) {
    %c0_i32 = arith.constant 0 : i32
    %c0_i32_0 = arith.constant 0 : i32
    %c0_i32_1 = arith.constant 0 : i32
    return %c0_i32, %c0_i32_0 : i32, i32
  }
  func.func @transform_6(%arg0: i32) -> (i32, i32) {
    %c0_i32 = arith.constant 0 : i32
    %c0_i32_0 = arith.constant 0 : i32
    %c0_i32_1 = arith.constant 0 : i32
    return %c0_i32, %c0_i32_0 : i32, i32
  }
  func.func @transform_7(%arg0: i32) -> (i32, i32) {
    %c0_i32 = arith.constant 0 : i32
    %c0_i32_0 = arith.constant 0 : i32
    %c0_i32_1 = arith.constant 0 : i32
    return %c0_i32, %c0_i32_0 : i32, i32
  }
  func.func @transform_8(%arg0: i32) -> (i32, i32) {
    %c0_i32 = arith.constant 0 : i32
    %c0_i32_0 = arith.constant 0 : i32
    %c0_i32_1 = arith.constant 0 : i32
    return %c0_i32, %c0_i32_0 : i32, i32
  }
  func.func @transform_9(%arg0: i32) -> (i32, i32) {
    %c0_i32 = arith.constant 0 : i32
    %c0_i32_0 = arith.constant 0 : i32
    %c0_i32_1 = arith.constant 0 : i32
    return %c0_i32, %c0_i32_0 : i32, i32
  }
  func.func @transform_10(%arg0: i32) -> (i32, i32) {
    %c0_i32 = arith.constant 0 : i32
    %c0_i32_0 = arith.constant 0 : i32
    %c0_i32_1 = arith.constant 0 : i32
    return %c0_i32, %c0_i32_0 : i32, i32
  }
  func.func @transform_11(%arg0: i32) -> (i32, i32) {
    %c0_i32 = arith.constant 0 : i32
    %c0_i32_0 = arith.constant 0 : i32
    %c0_i32_1 = arith.constant 0 : i32
    return %c0_i32, %c0_i32_0 : i32, i32
  }
  func.func @transform_12(%arg0: i32) -> (i32, i32) {
    %c0_i32 = arith.constant 0 : i32
    %c0_i32_0 = arith.constant 0 : i32
    %c0_i32_1 = arith.constant 0 : i32
    return %c0_i32, %c0_i32_0 : i32, i32
  }
  func.func @transform_13(%arg0: i32) -> (i32, i32) {
    %c0_i32 = arith.constant 0 : i32
    %c0_i32_0 = arith.constant 0 : i32
    %c0_i32_1 = arith.constant 0 : i32
    return %c0_i32, %c0_i32_0 : i32, i32
  }
  func.func @transform_14(%arg0: i32) -> (i32, i32) {
    %c0_i32 = arith.constant 0 : i32
    %c0_i32_0 = arith.constant 0 : i32
    %c0_i32_1 = arith.constant 0 : i32
    return %c0_i32, %c0_i32_0 : i32, i32
  }
  func.func @transform_15(%arg0: i32) -> (i32, i32) {
    %c0_i32 = arith.constant 0 : i32
    %c0_i32_0 = arith.constant 0 : i32
    return %arg0, %c0_i32 : i32, i32
  }
  func.func @transform_16(%arg0: i32) -> (i32, i32, i32) {
    %c0_i32 = arith.constant 0 : i32
    %c0_i32_0 = arith.constant 0 : i32
    %c0_i32_1 = arith.constant 0 : i32
    return %c0_i32, %arg0, %c0_i32_0 : i32, i32, i32
  }
}

</mosaic_0001>

<sc_bundles>
// kernel: kernel.4.cloned.1.call-start
scs
__scs_entry_jumppad:
0x0: {  	(pc) =	sbr.rel $0x88, $3  }
0x1: {  	(tag) =	ssettag $0x0;
	lr =	simm.s32 $0x1  }
0x2: {  	[smem:$0x3F96] =	sst lr;
	_ =	strace $0xD0000000  }
0x3: {  	_ = 	snop  }
0x4: {  	_ = 	snop  }
0x5: {  	_ = 	snop  }
0x6: {  	_ = 	snop  }
0x7: {  	_ = 	snop  }
__scs_overlays_trampoline_lowered:
0x8: {  	[smem:$0x3FA5] =	sst s0  }
0x9: {  	[smem:$0x3FA6] =	sst s1  }
0xa: {  	[smem:$0x3FA7] =	sst s2  }
0xb: {  	[smem:$0x3FA8] =	sst s3  }
0xc: {  	[smem:$0x3FA9] =	sst s4  }
0xd: {  	[smem:$0x3FAA] =	sst s5  }
0xe: {  	[smem:$0x3FAB] =	sst s6  }
0xf: {  	[smem:$0x3FAC] =	sst s7  }
0x10: {  	[smem:$0x3FAD] =	sst s8  }
0x11: {  	[smem:$0x3FAE] =	sst s9;
	s0 =	simm.s32 @!p0 $0x0  }
0x12: {  	s1 =	sld [smem:$0x3F94];
	s0 =	simm.s32 @p0 $0x1  }
0x13: {  	[smem:$0x3FAF] =	sst s0;
	s0 =	simm.s32 @!p1 $0x0  }
0x14: {  	s2 =	sld [smem:$0x3F93];
	s0 =	simm.s32 @p1 $0x1  }
0x15: {  	[smem:$0x3FB0] =	sst s0;
	s0 =	simm.s32 @!p2 $0x0  }
0x16: {  	s3 =	sld [smem:$0x3FDB];
	s0 =	simm.s32 @p2 $0x1  }
0x17: {  	s4 =	simm.s32 $0x1BF5;
	[smem:$0x3FB2] =	sst s0  }
0x18: {  	s0 =	sld [smem:$0x3F95];
	_ =	swait.ge [sflag:s4], $0x0  }
0x19: {  	s7 =	sld [smem:$0x3F96]  }
0x1a: {  	s8 =	sadd.s32 $0xFFFFE003, lr  }
0x1b: {  	s9 =	sadd.s32 $0xFFFFFEF7, lr;
	s5 =	simm.s32 $0xFFFFFFFF;
	p2 =	slt.u32 s8, $0xFFFFF086  }
0x1c: {  	p1 =	slt.u32 s9, $0xF7A;
	s5 =	simm.s32 @!p2 $0x0  }
0x1d: {  	s5 =	simm.s32 @p1 $0x1;
	p0 =	seq.s32 s7, s2  }
0x1e: {  	s7 =	smul.u32 @!p0 $0xF7A, s2;
	p2 =	seq.s32 @!p0 s5, $0x0  }
0x1f: {  	s9 =	smul.u32 $0xF7A, s1;
	s8 =	simm.s32 @!p0 $0x1BF5;
	p2 =	por !p2, p0  }
0x20: {  	[sflag:s8] =	ssyncset.s32 @!p0 $0xFFFFF086;
	s6 =	sadd.s32 @!p0 s3, s7;
	s7 =	simm.s32 @!p0 $0x108  }
0x21: {  	s3 =	sadd.s32 s3, s9;
	s6 =	sadd.s32 @!p0 $0x88, s6;
	s7 =	simm.s32 @p2 $0x1082  }
0x22: {  	[simem:s7], [sflag:s8] =	dma.local @!p0 [hbm:s6], $0xF7A  }
0x23: {  	s9 =	sor.u32 $0xD0000000, s2;
	s6 =	simm.s32 $0x108;
	_ =	swait.ge @!p0 [sflag:s8], $0x0  }
0x24: {  	s3 =	sadd.s32 $0x88, s3;
	s6 =	simm.s32 @!p1 $0x1082;
	[sflag:s4] =	ssyncset.s32 $0xFFFFF086  }
0x25: {  	[simem:s6], [sflag:s4] =	dma.local [hbm:s3], $0xF7A  }
0x26: {  	[smem:$0x3F96] =	sst s1;
	(tag) =	ssettag s2;
	_ =	strace s9  }
0x27: {  	s1 =	sld [smem:$0x3FA6]  }
0x28: {  	s2 =	sld [smem:$0x3FA7]  }
0x29: {  	s4 =	sld [smem:$0x3FA9]  }
0x2a: {  	p0 =	seq.s32 s5, $0x0;
	s5 =	sld [smem:$0x3FAA]  }
0x2b: {  	s6 =	sld [smem:$0x3FAB]  }
0x2c: {  	s7 =	sld [smem:$0x3FAC]  }
0x2d: {  	s3 =	simm.s32 $0x108;
	s8 =	sld [smem:$0x3FAD]  }
0x2e: {  	s3 =	simm.s32 @!p0 $0x1082;
	s9 =	sld [smem:$0x3FAE]  }
0x2f: {  	lr =	sadd.s32 s0, s3;
	s0 =	sld [smem:$0x3FA5]  }
0x30: {  	s3 =	sld [smem:$0x3FA8]  }
0x31: {  	[smem:$0x3FB1] =	sst s10  }
0x32: {  	s10 =	sld [smem:$0x3FAF];
	_ =	sdelay $0x3  }
0x33: {  	p0 =	seq.s32 s10, $0x1;
	s10 =	sld [smem:$0x3FB1];
	_ =	sdelay $0x3  }
0x34: {  	[smem:$0x3FB1] =	sst s10  }
0x35: {  	s10 =	sld [smem:$0x3FB0];
	_ =	sdelay $0x3  }
0x36: {  	p1 =	seq.s32 s10, $0x1;
	s10 =	sld [smem:$0x3FB1];
	_ =	sdelay $0x3  }
0x37: {  	[smem:$0x3FB1] =	sst s10  }
0x38: {  	s10 =	sld [smem:$0x3FB2]  }
0x39: {  	_ = 	snop;
	(pc) =	sbr.ind lr, $3  }
0x3a: {  	_ = 	snop  }
0x3b: {  	_ = 	snop  }
0x3c: {  	p2 =	seq.s32 s10, $0x1;
	s10 =	sld [smem:$0x3FB1]  }
0x3d: {  	_ =	shalt  }
0x3e: {  	_ =	shalt  }
0x3f: {  	_ =	shalt  }
0x40: {  	_ =	shalt  }
0x41: {  	_ =	shalt  }
0x42: {  	_ =	shalt  }
0x43: {  	_ =	shalt  }
0x44: {  	_ =	shalt  }
0x45: {  	_ =	shalt  }
0x46: {  	_ =	shalt  }
0x47: {  	_ =	shalt  }
0x48: {  	_ =	shalt  }
0x49: {  	_ =	shalt  }
0x4a: {  	_ =	shalt  }
0x4b: {  	_ =	shalt  }
0x4c: {  	_ =	shalt  }
0x4d: {  	_ =	shalt  }
0x4e: {  	_ =	shalt  }
0x4f: {  	_ =	shalt  }
0x50: {  	_ =	shalt  }
0x51: {  	_ =	shalt  }
0x52: {  	_ =	shalt  }
0x53: {  	_ =	shalt  }
0x54: {  	_ =	shalt  }
0x55: {  	_ =	shalt  }
0x56: {  	_ =	shalt  }
0x57: {  	_ =	shalt  }
0x58: {  	_ =	shalt  }
0x59: {  	_ =	shalt  }
0x5a: {  	_ =	shalt  }
0x5b: {  	_ =	shalt  }
0x5c: {  	_ =	shalt  }
0x5d: {  	_ =	shalt  }
0x5e: {  	_ =	shalt  }
0x5f: {  	_ =	shalt  }
0x60: {  	_ =	shalt  }
0x61: {  	_ =	shalt  }
0x62: {  	_ =	shalt  }
0x63: {  	_ =	shalt  }
0x64: {  	_ =	shalt  }
0x65: {  	_ =	shalt  }
0x66: {  	_ =	shalt  }
0x67: {  	_ =	shalt  }
0x68: {  	_ =	shalt  }
0x69: {  	_ =	shalt  }
0x6a: {  	_ =	shalt  }
0x6b: {  	_ =	shalt  }
0x6c: {  	_ =	shalt  }
0x6d: {  	_ =	shalt  }
0x6e: {  	_ =	shalt  }
0x6f: {  	_ =	shalt  }
0x70: {  	_ =	shalt  }
0x71: {  	_ =	shalt  }
0x72: {  	_ =	shalt  }
0x73: {  	_ =	shalt  }
0x74: {  	_ =	shalt  }
0x75: {  	_ =	shalt  }
0x76: {  	_ =	shalt  }
0x77: {  	_ =	shalt  }
0x78: {  	_ =	shalt  }
0x79: {  	_ =	shalt  }
0x7a: {  	_ =	shalt  }
0x7b: {  	_ =	shalt  }
0x7c: {  	_ =	shalt  }
0x7d: {  	_ =	shalt  }
0x7e: {  	_ =	shalt  }
0x7f: {  	_ =	shalt  }
0x80: {  	_ =	shalt  }
0x81: {  	_ =	shalt  }
0x82: {  	_ =	shalt  }
0x83: {  	_ =	shalt  }
0x84: {  	_ =	shalt  }
0x85: {  	_ =	shalt  }
0x86: {  	_ =	shalt  }
0x87: {  	_ =	shalt  }
.Lfunc_end0:
.L_simem_size_0:
called_computation_lowered:
.L_overlay_start_0:
0x88: {  	s2 =	sld [smem:$0x3FD9]  }
0x89: {  	s3 =	sld [smem:$0x3FFE];
	_ =	sdelay $0x1  }
0x8a: {  	s1 =	srdreg.scid  }
0x8b: {  	s0 =	sand.u32 $0x1, s1  }
0x8c: {  	s14 =	sshll.u32 s0, $0xA;
	s2 =	sadd.s32 s3, s2  }
0x8d: {  	s2 =	sadd.s32 s2, s14  }
0x8e: {  	[smem:$0x3FBD] =	sst s2  }
0x8f: {  	_ = 	snop  }
0x90: {  	s2 =	sld [smem:$0x3FD0];
	_ =	sdelay $0x2  }
0x91: {  	s15 =	simm.s32 $0xA;
	s4 =	simm.s32 $0x10  }
0x92: {  	[smem:s4], [sflag:s15] =	dma.local [hbm:s2], $0x1  }
0x93: {  	_ =	swait.eq [sflag:s15], $0x1  }
0x94: {  	[sflag:s15] =	ssyncset.done $0x0  }
0x95: {  	s16 =	sld [smem:$0x10];
	[sflag:s15] =	ssyncadd.s32 $0xFFFFFFFF  }
0x96: {  	s17 =	sld [smem:$0x11];
	(tm) =	ssettm $0x1  }
0x97: {  	s18 =	sld [smem:$0x3FFB];
	_ =	sdelay $0x3  }
0x98: {  	_ =	strace s18  }
0x99: {  	s4 =	sld [smem:$0x3FFC];
	_ =	sdelay $0x3  }
0x9a: {  	_ =	strace s4  }
0x9b: {  	s4 =	sld [smem:$0x3FFD];
	_ =	sdelay $0x3  }
0x9c: {  	_ =	strace s4  }
0x9d: {  	_ =	strace $0x8FFFFFFF  }
0x9e: {  	s19 =	sld [smem:$0x3FDB];
	_ =	sdelay $0x1  }
0x9f: {  	s5 =	simm.s32 $_scs_section_size  }
0xa0: {  	s6 =	simm.s32 $_size__tile_overlayer_lowered;
	s7 =	simm.s32 $_tile_overlayer_lowered  }
0xa1: {  	s22 =	simm.s32 $0x1BFF;
	s21 =	sshll.u32 s7, $0x1;
	s4 =	sadd.s32 s5, s19  }
0xa2: {  	s8 =	simm.s32 $0x0;
	s20 =	sshll.u32 s6, $0x1;
	s6 =	sadd.s32 s21, s4  }
0xa3: {  	[timem:s8], [sflag:s22] =	dma.local [hbm:s6], s20  }
0xa4: {  	_ =	swait.ge [sflag:s22], s20  }
0xa5: {  	s5 =	ssub.s32 $0x0, s20;
	[sflag:s22] =	ssyncset.done $0x0  }
0xa6: {  	[sflag:s22] =	ssyncadd.s32 s5;
	_ =	sdelay $0x1  }
0xa7: {  	s23 =	simm.s32 $0x1B8B  }
0xa8: {  	_ =	swait.ge [sflag:s23], $0x1  }
0xa9: {  	[sflag:s23] =	ssyncset.done $0x0  }
0xaa: {  	s25 =	simm.s32 $0x1B8E;
	s24 =	sld [smem:$0x3FFE];
	[sflag:s23] =	ssyncadd.s32 $0xFFFFFFFF  }
0xab: {  	s26 =	simm.s32 $execute0_lowered;
	[smem:$0x3FD2] =	sst s25  }
0xac: {  	s6 =	sshll.u32 s26, $0x1;
	_ =	strace $0x80000046;
	[dreg:$0x1] =	wrdreg $0xFFFFFFFF  }
0xad: {  	s28 =	simm.s32 $_size_execute0_lowered;
	s4 =	sadd.s32 s4, s6;
	[dreg:$0x0] =	wrdreg $0x0  }
0xae: {  	s6 =	sshll.u32 s28, $0x1;
	[dreg:$0x2] =	wrdreg s4  }
0xaf: {  	[dreg:$0x3] =	wrdreg s6  }
0xb0: {  	[dreg:$0x4] =	wrdreg $0xC0  }
0xb1: {  	_ =	task [dreg:s8], $0x5FFFF  }
0xb2: {  	[dreg:$0x1] =	wrdreg $0xFFFFFFFF  }
0xb3: {  	[dreg:$0x0] =	wrdreg $0x60  }
0xb4: {  	[dreg:$0x2] =	wrdreg s16  }
0xb5: {  	[dreg:$0x3] =	wrdreg s17  }
0xb6: {  	[dreg:$0x4] =	wrdreg s24  }
0xb7: {  	[dreg:$0x5] =	wrdreg $0x9  }
0xb8: {  	_ =	task.clear_ibuf [dreg:s8], $0x6FFFF;
	_ =	strace $0x90000046  }
0xb9: {  	s29 =	simm.s32 $0x9;
	_ =	strace $0x80000048  }
0xba: {  	_ =	swait.ge [sflag:s29], $0x1  }
0xbb: {  	[sflag:s29] =	ssyncadd.s32 $0xFFFFFFFF  }
0xbc: {  	_ =	strace $0x90000048  }
0xbd: {  	_ =	sfence  }
0xbe: {  	s30 =	sld [smem:$0x0];
	_ =	sdelay $0x2  }
0xbf: {  	s31 =	sshll.u32 s1, $0xD;
	s1 =	sshrl.u32 s1, $0x2  }
0xc0: {  	s3 =	sand.u32 $0x4000, s31;
	s1 =	sadd.s32 s1, s30  }
0xc1: {  	s0 =	sor.u32 s3, s0;
	s1 =	sshll.u32 s1, $0x11  }
0xc2: {  	s0 =	sor.u32 s1, s0  }
0xc3: {  	s0 =	sadd.s32 $0x8F2B, s0  }
0xc4: {  	[sflag:s0] =	ssyncadd.remote.s32 $0x1  }
0xc5: {  	_ =	sfence.sel $0xFFFF  }
0xc6: {  	[dreg:$0x0] =	wrdreg $0xFFFFFFFF;
	(pc) =	sbr.abs _section_cstart, $3  }
0xc7: {  	[dreg:$0x1] =	wrdreg $0xFFFFFFFF  }
0xc8: {  	_ =	task.clear_ibuf [dreg:s8], $0x2FFFF;
	_ =	strace $0x9FFFFFFF  }
0xc9: {  	(tm) =	ssettm $0x7FFFFFFF  }
tec
execute0_lowered:
.L_overlay_start_1:
0x0: {  	(tag) =	ssettag $0x1  }
0x1: {  	s1 =	rddreg [dreg:$0x0]  }
0x2: {  	s2 =	rddreg [dreg:$0x1]  }
0x3: {  	s0 =	rddreg [dreg:$0x2];
	s4 =	simm.s32 $0x0;
	s3 =	srdreg.scid  }
0x4: {  	s9 =	stileid.u32;
	[smem:$0x7FF] =	sst s4;
	s3 =	sand.u32 $0x1, s3  }
0x5: {  	s5 =	sshll.u32 s9, $0x1;
	s6 =	sshll.u32 s9, $0xC;
	s29 =	sshll.u32 s9, $0xA  }
0x6: {  	_ =	strace $0x80000047;
	s7 =	ssub.s32 $0x2, s3;
	s5 =	sor.u32 s3, s5  }
0x7: {  	s0 =	sadd.s32 s6, s0;
	s28 =	sshll.u32 s3, $0xB;
	s3 =	sshll.u32 s3, $0x9  }
0x8: {  	s23 =	sshrl.u32 s7, $0x1;
	s8 =	sshll.u32 s5, $0x6;
	p0 =	slt.u32 s5, $0x15  }
0x9: {  	s5 =	simm.s32 $0x62;
	s0 =	sadd.s32 s28, s0;
	s30 =	sor.u32 s3, s29  }
0xa: {  	s8 =	sadd.s32 s1, s8;
	s6 =	ssub.s32 s7, s23;
	s5 =	simm.s32 @!p0 $0x61  }
0xb: {  	s11 =	sadd.s32 $0x189600, s0;
	s12 =	sor.u32 $0x10000, s30;
	s3 =	sor.u32 $0x14000, s30  }
0xc: {  	s31 =	sor.u32 $0x18000, s30;
	s24 =	sadd.s32 $0x800, s8;
	[dreg:$0x4] =	wrdreg s8  }
0xd: {  	s0 =	sor.u32 $0x1C000, s30;
	s25 =	sadd.s32 $0x1000, s8;
	[dreg:$0x5] =	wrdreg s24  }
0xe: {  	s23 =	simm.s32 $0x0;
	s26 =	sadd.s32 $0x1800, s8;
	[dreg:$0x6] =	wrdreg s25  }
0xf: {  	s6 =	smax.u32 s6, $0x1;
	s3 =	sshrl.u32 s3, $0x3;
	[dreg:$0x7] =	wrdreg s26  }
0x10: {  	s0 =	sshrl.u32 s0, $0x3;
	[dreg:$0x8] =	wrdreg s6;
	s6 =	sshrl.u32 s31, $0x3  }
0x11: {  	s13 =	sadd.s32 s3, s1;
	s3 =	sadd.s32 s0, s1;
	s14 =	sadd.s32 s6, s1  }
.LBB2_1:
0x12: {  	s0 =	rddreg [dreg:$0x4];
	p3 =	sle.u32 s5, $0x0  }
0x13: {  	[tilespmem:s4], [sflag:$0x1] =	stream.linear.gather [hbm4b:s0+s4], $0x200, $0x38;
	[tilespmem:$0x10800] =	vst v63  }
0x14: {  	s21 =	rddreg [dreg:$0x5];
	s6 =	simm.s32 $0x200;
	p0 =	por @!p3 $0x1, $0x1  }
0x15: {  	[tilespmem:s6], [sflag:$0x2] =	stream.linear.gather [hbm4b:s21+s4], $0x200, $0x38;
	[tilespmem:$0x10800] =	vst v63  }
0x16: {  	s22 =	rddreg [dreg:$0x6];
	s24 =	simm.s32 $0x400;
	p0 =	por p0, p3  }
0x17: {  	[tilespmem:s24], [sflag:$0x3] =	stream.linear.gather [hbm4b:s22+s4], $0x200, $0x38;
	[tilespmem:$0x10800] =	vst v63  }
0x18: {  	s25 =	rddreg [dreg:$0x7];
	s26 =	simm.s32 $0x600;
	s0 =	simm.s32 @!p0 $0x9  }
0x19: {  	[tilespmem:s26], [sflag:$0x4] =	stream.linear.gather [hbm4b:s25+s4], $0x200, $0x38;
	[tilespmem:$0x10800] =	vst v63  }
0x1a: {  	_ =	swait.ge @!p0 [sflag:s0], $0x4000  }
0x1b: {  	[sflag:s0] =	ssyncset.done @!p0 $0x0  }
0x1c: {  	p2 =	sle.u32 s5, $0x1;
	s6 =	simm.s32 @!p3 $0x1;
	[sflag:s0] =	ssyncadd.s32 @!p0 $0xFFFFC000  }
0x1d: {  	s7 =	simm.s32 @!p3 $0x800;
	p0 =	por @!p2 $0x1, $0x1;
	_ =	swait.ge @!p3 [sflag:s6], $0x200  }
0x1e: {  	s8 =	simm.s32 @!p3 $0x200;
	p0 =	por p0, p2;
	[sflag:s6] =	ssyncset.done @!p3 $0x0  }
0x1f: {  	s0 =	simm.s32 @!p3 $0x0;
	[sflag:s6] =	ssyncadd.s32 @!p3 $0xFFFFFE00;
	s6 =	simm.s32 @!p0 $0xA  }
0x20: {  	[tilespmem:s7], [sflag:$0x5] =	stream.indirect.gather @!p3 [hbm4b:s2+s8], $0x20, s0, s8, $0xb8;
	[tilespmem:$0x10800] =	vst v63  }
0x21: {  	_ =	swait.ge @!p0 [sflag:s6], $0x4000  }
0x22: {  	[sflag:s6] =	ssyncset.done @!p0 $0x0  }
0x23: {  	[sflag:s6] =	ssyncadd.s32 @!p0 $0xFFFFC000;
	s6 =	simm.s32 @!p2 $0x2  }
0x24: {  	p0 =	sle.u32 s5, $0x2;
	_ =	swait.ge @!p2 [sflag:s6], $0x200  }
0x25: {  	s8 =	simm.s32 @!p2 $0x4800;
	p1 =	por @!p0 $0x1, $0x1;
	[sflag:s6] =	ssyncset.done @!p2 $0x0  }
0x26: {  	p1 =	por p1, p0;
	[sflag:s6] =	ssyncadd.s32 @!p2 $0xFFFFFE00;
	s6 =	simm.s32 @!p2 $0x200  }
0x27: {  	[tilespmem:s8], [sflag:$0x6] =	stream.indirect.gather @!p2 [hbm4b:s2+s6], $0x20, s6, s6, $0xb8;
	[tilespmem:$0x10800] =	vst v63  }
0x28: {  	s6 =	simm.s32 @!p1 $0xB  }
0x29: {  	_ =	swait.ge @!p1 [sflag:s6], $0x4000  }
0x2a: {  	[sflag:s6] =	ssyncset.done @!p1 $0x0  }
0x2b: {  	s9 =	simm.s32 @!p0 $0x3;
	[sflag:s6] =	ssyncadd.s32 @!p1 $0xFFFFC000;
	p1 =	sle.u32 s5, $0x3  }
0x2c: {  	s10 =	simm.s32 @!p0 $0x200;
	_ =	swait.ge @!p0 [sflag:s9], $0x200;
	p4 =	por @!p1 $0x1, $0x1  }
0x2d: {  	s6 =	simm.s32 @!p0 $0x8800;
	[sflag:s9] =	ssyncset.done @!p0 $0x0;
	p4 =	por p4, p1  }
0x2e: {  	[sflag:s9] =	ssyncadd.s32 @!p0 $0xFFFFFE00;
	s9 =	simm.s32 @!p0 $0x400;
	s15 =	simm.s32 @!p4 $0xC  }
0x2f: {  	[tilespmem:s6], [sflag:$0x7] =	stream.indirect.gather @!p0 [hbm4b:s2+s10], $0x20, s9, s10, $0xb8;
	[tilespmem:$0x10800] =	vst v63  }
0x30: {  	_ =	swait.ge @!p4 [sflag:s15], $0x4000  }
0x31: {  	[sflag:s15] =	ssyncset.done @!p4 $0x0  }
0x32: {  	s9 =	simm.s32 @!p1 $0x4;
	[sflag:s15] =	ssyncadd.s32 @!p4 $0xFFFFC000  }
0x33: {  	_ =	swait.ge @!p1 [sflag:s9], $0x200  }
0x34: {  	s17 =	simm.s32 @!p1 $0xC800;
	s16 =	simm.s32 @!p1 $0x600;
	[sflag:s9] =	ssyncset.done @!p1 $0x0  }
0x35: {  	s10 =	simm.s32 @!p3 $0x5;
	s15 =	simm.s32 @!p1 $0x200;
	[sflag:s9] =	ssyncadd.s32 @!p1 $0xFFFFFE00  }
0x36: {  	[tilespmem:s17], [sflag:$0x8] =	stream.indirect.gather @!p1 [hbm4b:s2+s15], $0x20, s16, s15, $0xb8;
	[tilespmem:$0x10800] =	vst v63  }
0x37: {  	_ =	swait.ge @!p3 [sflag:s10], $0x4000  }
0x38: {  	p4 =	sle.u32 @!p3 s5, $0x4;
	[sflag:s10] =	ssyncset.done @!p3 $0x0  }
0x39: {  	s31 =	simm.s32 $0x8;
	p4 =	por p4, p3;
	[sflag:s10] =	ssyncadd.s32 @!p3 $0xFFFFC000  }
0x3a: {  	[hbm4b:s11+s0] =	stream.linear.scatter @!p3 [tilespmem:s7], [sflag:$0x9], $0x4000, $0x38;
	[tilespmem:$0x10800] =	vst v63  }
0x3b: {  	s30 =	sadd.s32 $0x10000, s12;
	s29 =	sadd.s32 $0x2000, s13;
	s0 =	sshrl.u32 @!p4 s12, $0x3  }
0x3c: {  	s9 =	simm.s32 @!p2 $0x6;
	s7 =	simm.s32 @!p4 $0x0;
	s0 =	sadd.s32 @!p4 s1, s0  }
0x3d: {  	[tilespmem:s7], [sflag:$0x1] =	stream.linear.gather @!p4 [hbm4b:s0+s7], $0x200, $0x38;
	[tilespmem:$0x10800] =	vst v63  }
0x3e: {  	s28 =	sadd.s32 $0x40000, s11;
	p3 =	sle.u32 @!p2 s5, $0x5;
	_ =	swait.ge @!p2 [sflag:s9], $0x4000  }
0x3f: {  	s24 =	sadd.s32 $0x2000, s3;
	p3 =	por p3, p2;
	[sflag:s9] =	ssyncset.done @!p2 $0x0  }
0x40: {  	s0 =	sadd.s32 @!p2 $0x10000, s11;
	s7 =	simm.s32 @!p2 $0x0;
	[sflag:s9] =	ssyncadd.s32 @!p2 $0xFFFFC000  }
0x41: {  	[hbm4b:s0+s7] =	stream.linear.scatter @!p2 [tilespmem:s8], [sflag:$0xA], $0x4000, $0x38;
	[tilespmem:$0x10800] =	vst v63  }
0x42: {  	s26 =	simm.s32 $0x4;
	s0 =	simm.s32 @!p3 $0x0;
	s7 =	simm.s32 @!p3 $0x200  }
0x43: {  	[tilespmem:s7], [sflag:$0x2] =	stream.linear.gather @!p3 [hbm4b:s13+s0], $0x200, $0x38;
	[tilespmem:$0x10800] =	vst v63  }
0x44: {  	s25 =	sadd.s32 $0x2000, s14;
	s18 =	sadd.s32 @!p1 $0x30000, s11;
	s0 =	simm.s32 @!p0 $0x7  }
0x45: {  	s15 =	smov.u32 s3;
	s9 =	simm.s32 @!p0 $0x0;
	_ =	swait.ge @!p0 [sflag:s0], $0x4000  }
0x46: {  	p2 =	sle.u32 @!p0 s5, $0x6;
	s8 =	sadd.s32 @!p0 $0x20000, s11;
	[sflag:s0] =	ssyncset.done @!p0 $0x0  }
0x47: {  	p2 =	por p2, p0;
	p3 =	sle.u32 @!p1 s5, $0x7;
	[sflag:s0] =	ssyncadd.s32 @!p0 $0xFFFFC000  }
0x48: {  	[hbm4b:s8+s9] =	stream.linear.scatter @!p0 [tilespmem:s6], [sflag:$0xB], $0x4000, $0x38;
	[tilespmem:$0x10800] =	vst v63  }
0x49: {  	s7 =	simm.s32 @!p1 $0x0;
	s0 =	simm.s32 @!p2 $0x0;
	s6 =	simm.s32 @!p2 $0x400  }
0x4a: {  	[tilespmem:s6], [sflag:$0x3] =	stream.linear.gather @!p2 [hbm4b:s14+s0], $0x200, $0x38;
	[tilespmem:$0x10800] =	vst v63  }
0x4b: {  	p3 =	por p3, p1;
	p0 =	sle.u32 s5, $0x4;
	s6 =	simm.s32 @!p1 $0x8  }
0x4c: {  	p2 =	por @!p0 $0x0, $0x0;
	s0 =	simm.s32 @!p0 $0x8;
	_ =	swait.ge @!p1 [sflag:s6], $0x4000  }
.LBB2_2:
0x4d: {  	[sflag:s6] =	ssyncset.done @!p1 $0x0  }
0x4e: {  	s8 =	smov.u32 s31;
	s31 =	sadd.s32 $0x4, s31;
	[sflag:s6] =	ssyncadd.s32 @!p1 $0xFFFFC000  }
0x4f: {  	[hbm4b:s18+s7] =	stream.linear.scatter @!p1 [tilespmem:s17], [sflag:$0xC], $0x4000, $0x38;
	[tilespmem:$0x10800] =	vst v63  }
0x50: {  	p1 =	sne.s32 s31, $0x64  }
0x51: {  	p2 =	por p2, p0;
	s7 =	simm.s32 @!p1 $0x0  }
0x52: {  	s9 =	simm.s32 @!p3 $0x600;
	s6 =	simm.s32 @!p3 $0x0;
	s7 =	simm.s32 @p1 $0x1  }
0x53: {  	[tilespmem:s9], [sflag:$0x4] =	stream.linear.gather @!p3 [hbm4b:s15+s6], $0x200, $0x38;
	[tilespmem:$0x10800] =	vst v63  }
0x54: {  	s10 =	sadd.s32 $0x1, s26;
	[smem:$0x7FD] =	sst s7;
	s7 =	simm.s32 @!p2 $0x9  }
0x55: {  	p4 =	sge.u32 s10, s5;
	_ =	swait.ge @!p2 [sflag:s7], $0x4000  }
0x56: {  	s10 =	simm.s32 @!p0 $0x800;
	s17 =	sadd.s32 @!p4 $0x5, s26;
	[sflag:s7] =	ssyncset.done @!p2 $0x0  }
0x57: {  	s6 =	simm.s32 @!p0 $0x1;
	p1 =	seq.s32 @!p4 s26, $0x0;
	[sflag:s7] =	ssyncadd.s32 @!p2 $0xFFFFC000  }
0x58: {  	s9 =	simm.s32 @!p0 $0x0;
	p1 =	por p1, p4;
	_ =	swait.ge @!p0 [sflag:s6], $0x200  }
0x59: {  	s7 =	simm.s32 @!p0 $0x200;
	p2 =	sge.u32 @!p4 s17, s5;
	[sflag:s6] =	ssyncset.done @!p0 $0x0  }
0x5a: {  	p2 =	por p2, p4;
	[sflag:s6] =	ssyncadd.s32 @!p0 $0xFFFFFE00;
	s6 =	simm.s32 @!p1 $0xA  }
0x5b: {  	[tilespmem:s10], [sflag:$0x5] =	stream.indirect.gather @!p0 [hbm4b:s2+s7], $0x20, s9, s7, $0xb8;
	[tilespmem:$0x10800] =	vst v63  }
0x5c: {  	s7 =	simm.s32 @!p2 $0x0;
	_ =	swait.ge @!p1 [sflag:s6], $0x4000  }
0x5d: {  	s19 =	sadd.s32 $0x2, s26;
	s7 =	simm.s32 @p2 $0x1;
	[sflag:s6] =	ssyncset.done @!p1 $0x0  }
0x5e: {  	[smem:$0x7FC] =	sst s7;
	s7 =	simm.s32 @!p4 $0x2;
	[sflag:s6] =	ssyncadd.s32 @!p1 $0xFFFFC000  }
0x5f: {  	p5 =	sge.u32 s19, s5;
	_ =	swait.ge @!p4 [sflag:s7], $0x200  }
0x60: {  	s6 =	simm.s32 @!p4 $0x4800;
	p1 =	seq.s32 @!p5 s26, $0x0;
	[sflag:s7] =	ssyncset.done @!p4 $0x0  }
0x61: {  	p1 =	por p1, p5;
	[sflag:s7] =	ssyncadd.s32 @!p4 $0xFFFFFE00;
	s7 =	simm.s32 @!p4 $0x200  }
0x62: {  	[tilespmem:s6], [sflag:$0x6] =	stream.indirect.gather @!p4 [hbm4b:s2+s7], $0x20, s7, s7, $0xb8;
	[tilespmem:$0x10800] =	vst v63  }
0x63: {  	s7 =	simm.s32 @!p1 $0xB  }
0x64: {  	s17 =	sadd.s32 @!p5 $0x6, s26;
	_ =	swait.ge @!p1 [sflag:s7], $0x4000  }
0x65: {  	s20 =	sadd.s32 $0x3, s26;
	p2 =	sge.u32 @!p5 s17, s5;
	[sflag:s7] =	ssyncset.done @!p1 $0x0  }
0x66: {  	s17 =	simm.s32 @!p5 $0x3;
	[sflag:s7] =	ssyncadd.s32 @!p1 $0xFFFFC000;
	p1 =	sge.u32 s20, s5  }
0x67: {  	s19 =	simm.s32 @!p5 $0x8800;
	_ =	swait.ge @!p5 [sflag:s17], $0x200;
	p3 =	seq.s32 @!p1 s26, $0x0  }
0x68: {  	s7 =	simm.s32 @!p5 $0x200;
	[sflag:s17] =	ssyncset.done @!p5 $0x0;
	p3 =	por p3, p1  }
0x69: {  	[sflag:s17] =	ssyncadd.s32 @!p5 $0xFFFFFE00;
	s17 =	simm.s32 @!p5 $0x400;
	s20 =	simm.s32 @!p3 $0xC  }
0x6a: {  	[tilespmem:s19], [sflag:$0x7] =	stream.indirect.gather @!p5 [hbm4b:s2+s7], $0x20, s17, s7, $0xb8;
	[tilespmem:$0x10800] =	vst v63  }
0x6b: {  	_ =	swait.ge @!p3 [sflag:s20], $0x4000  }
0x6c: {  	[sflag:s20] =	ssyncset.done @!p3 $0x0  }
0x6d: {  	s7 =	sadd.s32 @!p1 $0x7, s26;
	s26 =	simm.s32 @!p1 $0x4;
	[sflag:s20] =	ssyncadd.s32 @!p3 $0xFFFFC000  }
0x6e: {  	p6 =	por p2, p5;
	s21 =	simm.s32 @!p1 $0x200;
	_ =	swait.ge @!p1 [sflag:s26], $0x200  }
0x6f: {  	s22 =	simm.s32 @!p1 $0x600;
	s17 =	simm.s32 @!p1 $0xC800;
	[sflag:s26] =	ssyncset.done @!p1 $0x0  }
0x70: {  	p2 =	sge.u32 @!p1 s7, s5;
	s20 =	simm.s32 @!p0 $0x5;
	[sflag:s26] =	ssyncadd.s32 @!p1 $0xFFFFFE00  }
0x71: {  	[tilespmem:s17], [sflag:$0x8] =	stream.indirect.gather @!p1 [hbm4b:s2+s21], $0x20, s22, s21, $0xb8;
	[tilespmem:$0x10800] =	vst v63  }
0x72: {  	p3 =	por p2, p1;
	p2 =	sge.u32 @!p0 s0, s5;
	_ =	swait.ge @!p0 [sflag:s20], $0x4000  }
0x73: {  	p2 =	por p2, p0;
	[sflag:s20] =	ssyncset.done @!p0 $0x0  }
0x74: {  	s0 =	sshrl.u32 @!p2 s30, $0x3;
	s26 =	smov.u32 s8;
	[sflag:s20] =	ssyncadd.s32 @!p0 $0xFFFFC000  }
0x75: {  	[hbm4b:s28+s9] =	stream.linear.scatter @!p0 [tilespmem:s10], [sflag:$0x9], $0x4000, $0x38;
	[tilespmem:$0x10800] =	vst v63  }
0x76: {  	s0 =	sadd.s32 @!p2 s1, s0;
	s8 =	simm.s32 @!p2 $0x0;
	s9 =	simm.s32 @!p4 $0x6  }
0x77: {  	[tilespmem:s8], [sflag:$0x1] =	stream.linear.gather @!p2 [hbm4b:s0+s8], $0x200, $0x38;
	[tilespmem:$0x10800] =	vst v63  }
0x78: {  	_ =	swait.ge @!p4 [sflag:s9], $0x4000  }
0x79: {  	[sflag:s9] =	ssyncset.done @!p4 $0x0;
	s21 =	sld [smem:$0x7FC]  }
0x7a: {  	s0 =	sadd.s32 @!p4 $0x10000, s28;
	s8 =	simm.s32 @!p4 $0x0;
	[sflag:s9] =	ssyncadd.s32 @!p4 $0xFFFFC000  }
0x7b: {  	[hbm4b:s0+s8] =	stream.linear.scatter @!p4 [tilespmem:s6], [sflag:$0xA], $0x4000, $0x38;
	[tilespmem:$0x10800] =	vst v63  }
0x7c: {  	p0 =	seq.s32 s21, $0x1  }
0x7d: {  	s8 =	simm.s32 @!p5 $0x7;
	s0 =	simm.s32 @!p0 $0x0;
	s6 =	simm.s32 @!p0 $0x200  }
0x7e: {  	[tilespmem:s6], [sflag:$0x2] =	stream.linear.gather @!p0 [hbm4b:s29+s0], $0x200, $0x38;
	[tilespmem:$0x10800] =	vst v63  }
0x7f: {  	_ =	swait.ge @!p5 [sflag:s8], $0x4000  }
0x80: {  	s16 =	smov.u32 s25;
	[sflag:s8] =	ssyncset.done @!p5 $0x0  }
0x81: {  	s0 =	sadd.s32 @!p5 $0x20000, s28;
	s6 =	simm.s32 @!p5 $0x0;
	[sflag:s8] =	ssyncadd.s32 @!p5 $0xFFFFC000  }
0x82: {  	[hbm4b:s0+s6] =	stream.linear.scatter @!p5 [tilespmem:s19], [sflag:$0xB], $0x4000, $0x38;
	[tilespmem:$0x10800] =	vst v63  }
0x83: {  	s9 =	simm.s32 @!p6 $0x400;
	s8 =	simm.s32 @!p6 $0x0;
	s6 =	simm.s32 @!p1 $0x8  }
0x84: {  	[tilespmem:s9], [sflag:$0x3] =	stream.linear.gather @!p6 [hbm4b:s16+s8], $0x200, $0x38;
	[tilespmem:$0x10800] =	vst v63  }
0x85: {  	_ =	swait.ge @!p1 [sflag:s6], $0x4000  }
0x86: {  	s22 =	sld [smem:$0x7FD];
	_ =	sdelay $0x2  }
0x87: {  	p4 =	seq.s32 s22, $0x1  }
.Ltmp0:
0x88: {  	_ = 	snop;
	(pc) =	sbr.rel @p4 .LBB2_2-.Ltmp0, $4  }
0x89: {  	s25 =	sadd.s32 $0x2000, s25;
	s15 =	smov.u32 s24  }
0x8a: {  	s24 =	sadd.s32 $0x2000, s24;
	s18 =	sadd.s32 @!p1 $0x30000, s28;
	s7 =	simm.s32 @!p1 $0x0  }
0x8b: {  	s30 =	sadd.s32 $0x10000, s30;
	s29 =	sadd.s32 $0x2000, s29;
	p0 =	sge.u32 s26, s5  }
0x8c: {  	s28 =	sadd.s32 $0x40000, s28;
	p2 =	seq.s32 @!p0 s26, $0x0;
	s0 =	sadd.s32 @!p0 $0x4, s26  }
0x8d: {  	[sflag:s6] =	ssyncset.done @!p1 $0x0  }
0x8e: {  	p2 =	por p2, p0;
	[sflag:s6] =	ssyncadd.s32 @!p1 $0xFFFFC000  }
0x8f: {  	[hbm4b:s18+s7] =	stream.linear.scatter @!p1 [tilespmem:s17], [sflag:$0xC], $0x4000, $0x38;
	[tilespmem:$0x10800] =	vst v63  }
0x90: {  	s6 =	simm.s32 @!p3 $0x0;
	s8 =	simm.s32 @!p2 $0x9;
	s7 =	simm.s32 @!p3 $0x600  }
0x91: {  	[tilespmem:s7], [sflag:$0x4] =	stream.linear.gather @!p3 [hbm4b:s15+s6], $0x200, $0x38;
	[tilespmem:$0x10800] =	vst v63  }
0x92: {  	_ =	swait.ge @!p2 [sflag:s8], $0x4000  }
0x93: {  	s21 =	sadd.s32 $0x1, s26;
	[sflag:s8] =	ssyncset.done @!p2 $0x0  }
0x94: {  	p1 =	sge.u32 s21, s5;
	s7 =	simm.s32 @!p0 $0x1;
	[sflag:s8] =	ssyncadd.s32 @!p2 $0xFFFFC000  }
0x95: {  	s9 =	simm.s32 @!p0 $0x200;
	p2 =	seq.s32 @!p1 s26, $0x0;
	_ =	swait.ge @!p0 [sflag:s7], $0x200  }
0x96: {  	s6 =	simm.s32 @!p0 $0x0;
	p2 =	por p2, p1;
	[sflag:s7] =	ssyncset.done @!p0 $0x0  }
0x97: {  	s8 =	simm.s32 @!p0 $0x800;
	[sflag:s7] =	ssyncadd.s32 @!p0 $0xFFFFFE00;
	s7 =	simm.s32 @!p2 $0xA  }
0x98: {  	[tilespmem:s8], [sflag:$0x5] =	stream.indirect.gather @!p0 [hbm4b:s2+s9], $0x20, s6, s9, $0xb8;
	[tilespmem:$0x10800] =	vst v63  }
0x99: {  	_ =	swait.ge @!p2 [sflag:s7], $0x4000  }
0x9a: {  	[sflag:s7] =	ssyncset.done @!p2 $0x0  }
0x9b: {  	s22 =	sadd.s32 $0x2, s26;
	[sflag:s7] =	ssyncadd.s32 @!p2 $0xFFFFC000;
	s7 =	simm.s32 @!p1 $0x2  }
0x9c: {  	p2 =	sge.u32 s22, s5;
	_ =	swait.ge @!p1 [sflag:s7], $0x200  }
0x9d: {  	s9 =	simm.s32 @!p1 $0x4800;
	p3 =	seq.s32 @!p2 s26, $0x0;
	[sflag:s7] =	ssyncset.done @!p1 $0x0  }
0x9e: {  	p3 =	por p3, p2;
	[sflag:s7] =	ssyncadd.s32 @!p1 $0xFFFFFE00;
	s7 =	simm.s32 @!p1 $0x200  }
0x9f: {  	[tilespmem:s9], [sflag:$0x6] =	stream.indirect.gather @!p1 [hbm4b:s2+s7], $0x20, s7, s7, $0xb8;
	[tilespmem:$0x10800] =	vst v63  }
0xa0: {  	s7 =	simm.s32 @!p3 $0xB  }
0xa1: {  	_ =	swait.ge @!p3 [sflag:s7], $0x4000  }
0xa2: {  	s10 =	sadd.s32 $0x3, s26;
	[sflag:s7] =	ssyncset.done @!p3 $0x0  }
0xa3: {  	s15 =	simm.s32 @!p2 $0x3;
	[sflag:s7] =	ssyncadd.s32 @!p3 $0xFFFFC000;
	p3 =	sge.u32 s10, s5  }
0xa4: {  	s7 =	simm.s32 @!p2 $0x8800;
	_ =	swait.ge @!p2 [sflag:s15], $0x200;
	p4 =	seq.s32 @!p3 s26, $0x0  }
0xa5: {  	s10 =	simm.s32 @!p2 $0x200;
	[sflag:s15] =	ssyncset.done @!p2 $0x0;
	p4 =	por p4, p3  }
0xa6: {  	[sflag:s15] =	ssyncadd.s32 @!p2 $0xFFFFFE00;
	s15 =	simm.s32 @!p2 $0x400;
	s16 =	simm.s32 @!p4 $0xC  }
0xa7: {  	[tilespmem:s7], [sflag:$0x7] =	stream.indirect.gather @!p2 [hbm4b:s2+s10], $0x20, s15, s10, $0xb8;
	[tilespmem:$0x10800] =	vst v63  }
0xa8: {  	_ =	swait.ge @!p4 [sflag:s16], $0x4000  }
0xa9: {  	[sflag:s16] =	ssyncset.done @!p4 $0x0  }
0xaa: {  	s10 =	simm.s32 @!p3 $0x4;
	[sflag:s16] =	ssyncadd.s32 @!p4 $0xFFFFC000  }
0xab: {  	_ =	swait.ge @!p3 [sflag:s10], $0x200  }
0xac: {  	s17 =	simm.s32 @!p3 $0x200;
	s18 =	simm.s32 @!p3 $0x600;
	[sflag:s10] =	ssyncset.done @!p3 $0x0  }
0xad: {  	s15 =	simm.s32 @!p3 $0xC800;
	s16 =	simm.s32 @!p0 $0x5;
	[sflag:s10] =	ssyncadd.s32 @!p3 $0xFFFFFE00  }
0xae: {  	[tilespmem:s15], [sflag:$0x8] =	stream.indirect.gather @!p3 [hbm4b:s2+s17], $0x20, s18, s17, $0xb8;
	[tilespmem:$0x10800] =	vst v63  }
0xaf: {  	p4 =	sge.u32 @!p0 s0, s5;
	_ =	swait.ge @!p0 [sflag:s16], $0x4000  }
0xb0: {  	p4 =	por p4, p0;
	[sflag:s16] =	ssyncset.done @!p0 $0x0  }
0xb1: {  	s0 =	sshrl.u32 @!p4 s30, $0x3;
	[sflag:s16] =	ssyncadd.s32 @!p0 $0xFFFFC000  }
0xb2: {  	[hbm4b:s28+s6] =	stream.linear.scatter @!p0 [tilespmem:s8], [sflag:$0x9], $0x4000, $0x38;
	[tilespmem:$0x10800] =	vst v63  }
0xb3: {  	s0 =	sadd.s32 @!p4 s1, s0;
	s6 =	simm.s32 @!p4 $0x0;
	s8 =	simm.s32 @!p1 $0x6  }
0xb4: {  	[tilespmem:s6], [sflag:$0x1] =	stream.linear.gather @!p4 [hbm4b:s0+s6], $0x200, $0x38;
	[tilespmem:$0x10800] =	vst v63  }
0xb5: {  	s0 =	sadd.s32 @!p1 $0x5, s26;
	_ =	swait.ge @!p1 [sflag:s8], $0x4000  }
0xb6: {  	s6 =	simm.s32 @!p1 $0x0;
	p0 =	sge.u32 @!p1 s0, s5;
	[sflag:s8] =	ssyncset.done @!p1 $0x0  }
0xb7: {  	s0 =	sadd.s32 @!p1 $0x10000, s28;
	p0 =	por p0, p1;
	[sflag:s8] =	ssyncadd.s32 @!p1 $0xFFFFC000  }
0xb8: {  	[hbm4b:s0+s6] =	stream.linear.scatter @!p1 [tilespmem:s9], [sflag:$0xA], $0x4000, $0x38;
	[tilespmem:$0x10800] =	vst v63  }
0xb9: {  	s8 =	simm.s32 @!p0 $0x200;
	s6 =	simm.s32 @!p0 $0x0;
	s9 =	simm.s32 @!p2 $0x7  }
0xba: {  	[tilespmem:s8], [sflag:$0x2] =	stream.linear.gather @!p0 [hbm4b:s29+s6], $0x200, $0x38;
	[tilespmem:$0x10800] =	vst v63  }
0xbb: {  	s0 =	sadd.s32 @!p2 $0x6, s26;
	_ =	swait.ge @!p2 [sflag:s9], $0x4000  }
0xbc: {  	p0 =	sge.u32 @!p2 s0, s5;
	s0 =	sadd.s32 @!p2 $0x20000, s28;
	[sflag:s9] =	ssyncset.done @!p2 $0x0  }
0xbd: {  	s6 =	simm.s32 @!p2 $0x0;
	p0 =	por p0, p2;
	[sflag:s9] =	ssyncadd.s32 @!p2 $0xFFFFC000  }
0xbe: {  	[hbm4b:s0+s6] =	stream.linear.scatter @!p2 [tilespmem:s7], [sflag:$0xB], $0x4000, $0x38;
	[tilespmem:$0x10800] =	vst v63  }
0xbf: {  	s0 =	simm.s32 @!p0 $0x0;
	s6 =	simm.s32 @!p0 $0x400;
	s7 =	simm.s32 @!p3 $0x8  }
0xc0: {  	[tilespmem:s6], [sflag:$0x3] =	stream.linear.gather @!p0 [hbm4b:s25+s0], $0x200, $0x38;
	[tilespmem:$0x10800] =	vst v63  }
0xc1: {  	s0 =	sadd.s32 @!p3 $0x7, s26;
	_ =	swait.ge @!p3 [sflag:s7], $0x4000  }
0xc2: {  	s6 =	sadd.s32 @!p3 $0x30000, s28;
	p0 =	sge.u32 @!p3 s0, s5;
	[sflag:s7] =	ssyncset.done @!p3 $0x0  }
0xc3: {  	s0 =	simm.s32 @!p3 $0x0;
	p0 =	por p0, p3;
	[sflag:s7] =	ssyncadd.s32 @!p3 $0xFFFFC000  }
0xc4: {  	[hbm4b:s6+s0] =	stream.linear.scatter @!p3 [tilespmem:s15], [sflag:$0xC], $0x4000, $0x38;
	[tilespmem:$0x10800] =	vst v63  }
0xc5: {  	s26 =	simm.s32 $0x9;
	s0 =	simm.s32 @!p0 $0x0;
	s6 =	simm.s32 @!p0 $0x600  }
0xc6: {  	[tilespmem:s6], [sflag:$0x4] =	stream.linear.gather @!p0 [hbm4b:s24+s0], $0x200, $0x38;
	[tilespmem:$0x10800] =	vst v63  }
0xc7: {  	_ =	swait.ge [sflag:s26], $0x4000  }
0xc8: {  	[sflag:s26] =	ssyncset.done $0x0  }
0xc9: {  	s28 =	simm.s32 $0xA;
	[sflag:s26] =	ssyncadd.s32 $0xFFFFC000  }
0xca: {  	_ =	swait.ge [sflag:s28], $0x4000  }
0xcb: {  	[sflag:s28] =	ssyncset.done $0x0  }
0xcc: {  	s29 =	simm.s32 $0xB;
	[sflag:s28] =	ssyncadd.s32 $0xFFFFC000  }
0xcd: {  	_ =	swait.ge [sflag:s29], $0x4000  }
0xce: {  	[sflag:s29] =	ssyncset.done $0x0  }
0xcf: {  	s30 =	simm.s32 $0xC;
	[sflag:s29] =	ssyncadd.s32 $0xFFFFC000  }
0xd0: {  	_ =	swait.ge [sflag:s30], $0x4000  }
0xd1: {  	s23 =	sadd.s32 $0x1, s23;
	s31 =	rddreg [dreg:$0x8]  }
0xd2: {  	p0 =	sne.s32 s23, s31  }
.Ltmp1:
0xd3: {  	_ = 	snop;
	(pc) =	sbr.rel @p0 .LBB2_1-.Ltmp1, $3  }
0xd4: {  	_ =	sdelay $0x1  }
0xd5: {  	[sflag:s30] =	ssyncset.done $0x0  }
0xd6: {  	[sflag:s30] =	ssyncadd.s32 $0xFFFFC000  }
0xd7: {  	_ =	sfence.sel $0x180000  }
0xd8: {  	[bflag:$0x0] =	sbarrier.arrive $0xFFFF  }
0xd9: {  	_ =	strace $0x90000047  }
0xda: {  	s0 =	stileid.u32;
	[bflag:$0x2] =	sbarrier.arrive $0xFFFF  }
0xdb: {  	p0 =	sne.s32 s0, $0x0;
	s0 =	rddreg [dreg:$0x3]  }
0xdc: {  	s0 =	sadd.s32 @!p0 $0x100000, s0  }
0xdd: {  	[sflag:s0] =	ssyncadd.tile.s32 @!p0 $0x1;
	_ =	shalt  }
.Lfunc_end2:
_tile_overlayer_lowered:
.L_overlay_start_2:
0xde: {  	(tag) =	ssettag $0x2  }
0xdf: {  	s0 =	rddreg [dreg:$0x0];
	s2 =	stileid.u32  }
0xe0: {  	s1 =	rddreg [dreg:$0x1];
	p0 =	sne.s32 s2, $0x0  }
0xe1: {  	s3 =	rddreg [dreg:$0x2];
	[bflag:$0x3] =	sbarrier.arrive $0xFFFF;
	s2 =	simm.s32 @!p0 $0x1C0D  }
0xe2: {  	[timem:s3], [sflag:s2] =	dma.local @!p0 [hbm:s0], s1  }
0xe3: {  	s0 =	simm.s32 @!p0 $0xD  }
0xe4: {  	_ =	swait.ge @!p0 [sflag:s0], s1  }
0xe5: {  	s1 =	ssub.s32 @!p0 $0x0, s1;
	[sflag:s0] =	ssyncset.done @!p0 $0x0  }
0xe6: {  	[sflag:s0] =	ssyncadd.s32 @!p0 s1  }
0xe7: {  	[bflag:$0x3] =	sbarrier.arrive $0xFFFF  }
0xe8: {  	_ =	shalt  }

</sc_bundles>
